<compile_context>
chip_gen: v7x
topology: tpu7x:2x2x1
jax: 0.10.2.dev20260603
libtpu: 0.0.44.dev20260713+nightly
codegen_flags: <defaults>
</compile_context>

<pallas_src>
import jax
import jax.numpy as jnp
from jax import lax
from jax.experimental import pallas as pl
from jax.experimental.pallas import tpu as pltpu
from jax.experimental.pallas import tpu_sc as plsc

N = 10000
E = 320000
H = 128

NC = 2
NS = 16
NW = NC * NS
EPW = E // NW
C = 40
NPH = 3
NSL = 4
NCHUNK = EPW // C
RPT = N // NS
ZR = 80

_f32 = jnp.float32


def _t1_body(x_ref, encw_ref, encb_ref, wd_ref, ws_ref, b1_ref,
             h_ref, a_ref, b_ref):
    h = jnp.dot(x_ref[...], encw_ref[...],
                preferred_element_type=_f32) + encb_ref[...]
    h_ref[...] = h
    a_ref[...] = jnp.dot(h, wd_ref[...],
                         preferred_element_type=_f32) + b1_ref[...]
    b_ref[...] = jnp.dot(h, ws_ref[...],
                         preferred_element_type=_f32)


def _t1(x, enc_w, enc_b, wd, ws, b1):
    blk = 1000
    grid = N // blk
    return pl.pallas_call(
        _t1_body,
        grid=(grid,),
        in_specs=[
            pl.BlockSpec((blk, 5), lambda i: (i, 0)),
            pl.BlockSpec((5, H), lambda i: (0, 0)),
            pl.BlockSpec((1, H), lambda i: (0, 0)),
            pl.BlockSpec((H, H), lambda i: (0, 0)),
            pl.BlockSpec((H, H), lambda i: (0, 0)),
            pl.BlockSpec((1, H), lambda i: (0, 0)),
        ],
        out_specs=[
            pl.BlockSpec((blk, H), lambda i: (i, 0)),
            pl.BlockSpec((blk, H), lambda i: (i, 0)),
            pl.BlockSpec((blk, H), lambda i: (i, 0)),
        ],
        out_shape=[jax.ShapeDtypeStruct((N, H), _f32)] * 3,
    )(x, enc_w, enc_b, wd, ws, b1)


def _sc_body(a_h, b_h, ei_h, ea_h, we_h,
             z128_h, z16_h, o16_h,
             s_out, deg_out,
             idxq, eaq, wev, arq, brq, onesv,
             s_sh, deg_sh, sem_i, sem_g, sem_s):
    cid = lax.axis_index("c")
    sid = lax.axis_index("s")
    wid = sid * NC + cid
    r0 = sid * RPT

    nfull, rem = RPT // ZR, RPT % ZR
    for q in range(nfull):
        pltpu.sync_copy(z128_h, s_sh.at[pl.ds(r0 + q * ZR, ZR)])
        pltpu.sync_copy(z16_h, deg_sh.at[pl.ds(r0 + q * ZR, ZR)])
    if rem:
        pltpu.sync_copy(z128_h.at[pl.ds(0, rem)],
                        s_sh.at[pl.ds(r0 + nfull * ZR, rem)])
        pltpu.sync_copy(z16_h.at[pl.ds(0, rem)],
                        deg_sh.at[pl.ds(r0 + nfull * ZR, rem)])

    pltpu.sync_copy(we_h, wev)
    pltpu.sync_copy(o16_h, onesv)
    plsc.subcore_barrier()

    wvecs = [[wev[r, pl.ds(k * 16, 16)] for k in range(8)] for r in range(3)]

    def idx_start(j, s):
        base = (wid * NCHUNK + j) * C
        pltpu.async_copy(ei_h.at[:, pl.ds(base, C)], idxq.at[s],
                         sem_i.at[s])
        pltpu.async_copy(ea_h.at[:, pl.ds(base, C)], eaq.at[s],
                         sem_i.at[s])

    def idx_wait(j, s):
        base = (wid * NCHUNK + j) * C
        pltpu.make_async_copy(ei_h.at[:, pl.ds(base, C)],
                              idxq.at[s], sem_i.at[s]).wait()
        pltpu.make_async_copy(ea_h.at[:, pl.ds(base, C)],
                              eaq.at[s], sem_i.at[s]).wait()

    def gather_start(s, p):
        pltpu.async_copy(a_h.at[idxq.at[s, 1]], arq.at[p], sem_g.at[p])
        pltpu.async_copy(b_h.at[idxq.at[s, 0]], brq.at[p], sem_g.at[p])

    def gather_wait(s, p):
        pltpu.make_async_copy(a_h.at[idxq.at[s, 1]], arq.at[p],
                              sem_g.at[p]).wait()
        pltpu.make_async_copy(b_h.at[idxq.at[s, 0]], brq.at[p],
                              sem_g.at[p]).wait()

    def scatter_start(s, p):
        pltpu.async_copy(arq.at[p], s_sh.at[idxq.at[s, 1]], sem_s.at[p],
                         add=True)
        pltpu.async_copy(onesv, deg_sh.at[idxq.at[s, 1]], sem_s.at[p],
                         add=True)

    def scatter_wait(s, p):
        pltpu.make_async_copy(arq.at[p], s_sh.at[idxq.at[s, 1]],
                              sem_s.at[p]).wait()
        pltpu.make_async_copy(onesv, deg_sh.at[idxq.at[s, 1]],
                              sem_s.at[p]).wait()

    def compute(s, p):
        @plsc.parallel_loop(0, C, unroll=8)
        def edge(e):
            gi = jnp.full((16,), e, jnp.int32)
            si = jnp.full((16,), s, jnp.int32)
            c0 = plsc.load_gather(eaq, [si, jnp.full((16,), 0, jnp.int32), gi])
            c1 = plsc.load_gather(eaq, [si, jnp.full((16,), 1, jnp.int32), gi])
            c2 = plsc.load_gather(eaq, [si, jnp.full((16,), 2, jnp.int32), gi])
            for k in range(8):
                sl = pl.ds(k * 16, 16)
                z = arq[p, e, sl] + brq[p, e, sl]
                z = z + c0 * wvecs[0][k] + c1 * wvecs[1][k] + c2 * wvecs[2][k]
                arq[p, e, sl] = jnp.maximum(z, 0.0)

    def chunk(j, carry):
        p = lax.rem(j, NPH)
        s = lax.rem(j, NSL)

        @pl.when(j >= 2)
        def _():
            scatter_wait(lax.rem(j - 2, NSL), lax.rem(j - 2, NPH))

        @pl.when(j + 2 < NCHUNK)
        def _():
            idx_start(j + 2, lax.rem(j + 2, NSL))

        @pl.when(j + 1 < NCHUNK)
        def _():
            s1 = lax.rem(j + 1, NSL)
            idx_wait(j + 1, s1)
            gather_start(s1, lax.rem(j + 1, NPH))

        gather_wait(s, p)
        compute(s, p)
        scatter_start(s, p)
        return carry

    idx_start(0, 0)
    idx_start(1, 1)
    idx_wait(0, 0)
    gather_start(0, 0)
    lax.fori_loop(0, NCHUNK, chunk, 0)
    scatter_wait((NCHUNK - 2) % NSL, (NCHUNK - 2) % NPH)
    scatter_wait((NCHUNK - 1) % NSL, (NCHUNK - 1) % NPH)
    plsc.subcore_barrier()

    pltpu.sync_copy(s_sh.at[pl.ds(r0, RPT)],
                    s_out.at[cid, pl.ds(r0, RPT)])
    pltpu.sync_copy(deg_sh.at[pl.ds(r0, RPT)],
                    deg_out.at[cid, pl.ds(r0, RPT)])


def _sc_call(a, b, ei, eaT, we, z128, z16, o16):
    mesh = plsc.VectorSubcoreMesh(core_axis_name="c", subcore_axis_name="s")
    return pl.kernel(
        _sc_body,
        out_type=[
            jax.ShapeDtypeStruct((NC, N, H), _f32),
            jax.ShapeDtypeStruct((NC, N, 16), _f32),
        ],
        mesh=mesh,
        compiler_params=pltpu.CompilerParams(use_tc_tiling_on_sc=False,
                                             needs_layout_passes=False),
        scratch_types=[
            pltpu.VMEM((NSL, 2, C), jnp.int32),
            pltpu.VMEM((NSL, 3, C), _f32),
            pltpu.VMEM((3, H), _f32),
            pltpu.VMEM((NPH, C, H), _f32),
            pltpu.VMEM((NPH, C, H), _f32),
            pltpu.VMEM((C, 16), _f32),
            pltpu.VMEM_SHARED((N, H), _f32),
            pltpu.VMEM_SHARED((N, 16), _f32),
            pltpu.SemaphoreType.DMA((NSL,)),
            pltpu.SemaphoreType.DMA((NPH,)),
            pltpu.SemaphoreType.DMA((NPH,)),
        ],
    )(a, b, ei, eaT, we, z128, z16, o16)


def _t2_body(h_ref, sp_ref, dp_ref, w2_ref, b2_ref,
             u1h_ref, u1a_ref, ub1_ref, u2_ref, ub2_ref, dw_ref, db_ref,
             o_ref):
    h = h_ref[...]
    s = sp_ref[0] + sp_ref[1]
    deg = dp_ref[0, :, :1] + dp_ref[1, :, :1]
    aggr = jnp.dot(s, w2_ref[...],
                   preferred_element_type=_f32) + deg * b2_ref[...]
    u = jnp.dot(h, u1h_ref[...], preferred_element_type=_f32)
    u = u + jnp.dot(aggr, u1a_ref[...],
                    preferred_element_type=_f32) + ub1_ref[...]
    u = jnp.maximum(u, 0.0)
    hu = jnp.dot(u, u2_ref[...], preferred_element_type=_f32) + ub2_ref[...]
    o_ref[...] = jnp.dot(h + hu, dw_ref[...],
                         preferred_element_type=_f32) + db_ref[...]


def _t2(h, s_part, deg_part, w2, b2, u1h, u1a, ub1, u2, ub2, dw, db):
    blk = 1000
    grid = N // blk
    full = lambda r, c: pl.BlockSpec((r, c), lambda i: (0, 0))
    row = lambda c: pl.BlockSpec((blk, c), lambda i: (i, 0))
    return pl.pallas_call(
        _t2_body,
        grid=(grid,),
        in_specs=[
            row(H),
            pl.BlockSpec((2, blk, H), lambda i: (0, i, 0)),
            pl.BlockSpec((2, blk, 16), lambda i: (0, i, 0)),
            full(H, H), full(1, H),
            full(H, H), full(H, H), full(1, H),
            full(H, H), full(1, H),
            full(H, 5), full(1, 5),
        ],
        out_specs=pl.BlockSpec((blk, 5), lambda i: (i, 0)),
        out_shape=jax.ShapeDtypeStruct((N, 5), _f32),
    )(h, s_part, deg_part, w2, b2, u1h, u1a, ub1, u2, ub2, dw, db)


def kernel(x, edge_index, edge_attr, enc_w, enc_b, dec_w, dec_b,
           msg_w1, msg_b1, msg_w2, msg_b2, upd_w1, upd_b1, upd_w2, upd_b2):
    l = msg_w1.shape[0] - 1
    W = msg_w1[l]
    wd, ws, we = W[:H], W[H:2 * H], W[2 * H:]

    h, a, b = _t1(x, enc_w, enc_b.reshape(1, H), wd, ws,
                  msg_b1[l].reshape(1, H))

    eaT = edge_attr.T
    z128 = jnp.zeros((ZR, H), _f32)
    z16 = jnp.zeros((ZR, 16), _f32)
    o16 = jnp.ones((C, 16), _f32)

    s_part, deg_part = _sc_call(a, b, edge_index, eaT, we, z128, z16, o16)

    u1 = upd_w1[l]
    return _t2(h, s_part, deg_part,
               msg_w2[l], msg_b2[l].reshape(1, H),
               u1[:H], u1[H:], upd_b1[l].reshape(1, H),
               upd_w2[l], upd_b2[l].reshape(1, H),
               dec_w, dec_b.reshape(1, 5))

# --- scband reference (transcript-rebuilt; emitter-appended) ---
"""Pipeline reference for scband-flow-predictor-42125039239963 (READ-ONLY COPY).

The authoritative reference and input builder live on the scoring server;
editing this copy changes nothing except your own understanding.
"""

import jax, jax.numpy as jnp
import numpy as np

N = 10000
E = 320000
H = 128
L = 4

def setup_inputs(seed: int = 0) -> dict:
    key = jax.random.key(seed)
    ks = jax.random.split(key, 16)
    s = 0.05
    inp = {}
    inp["x"] = jax.random.normal(ks[0], (N, 5), dtype=jnp.float32)
    inp["edge_index"] = jax.random.randint(ks[1], (2, E), 0, N).astype(jnp.int32)
    inp["edge_attr"] = jax.random.normal(ks[2], (E, 3), dtype=jnp.float32)
    inp["enc_w"] = jax.random.normal(ks[3], (5, H), dtype=jnp.float32) * s
    inp["enc_b"] = jnp.zeros((H,), dtype=jnp.float32)
    inp["dec_w"] = jax.random.normal(ks[4], (H, 5), dtype=jnp.float32) * s
    inp["dec_b"] = jnp.zeros((5,), dtype=jnp.float32)
    inp["msg_w1"] = jax.random.normal(ks[5], (L, 2 * H + 3, H), dtype=jnp.float32) * s
    inp["msg_b1"] = jnp.zeros((L, H), dtype=jnp.float32)
    inp["msg_w2"] = jax.random.normal(ks[6], (L, H, H), dtype=jnp.float32) * s
    inp["msg_b2"] = jnp.zeros((L, H), dtype=jnp.float32)
    inp["upd_w1"] = jax.random.normal(ks[7], (L, 2 * H, H), dtype=jnp.float32) * s
    inp["upd_b1"] = jnp.zeros((L, H), dtype=jnp.float32)
    inp["upd_w2"] = jax.random.normal(ks[8], (L, H, H), dtype=jnp.float32) * s
    inp["upd_b2"] = jnp.zeros((L, H), dtype=jnp.float32)
    return inp

def reference(x, edge_index, edge_attr, enc_w, enc_b, dec_w, dec_b,
              msg_w1, msg_b1, msg_w2, msg_b2, upd_w1, upd_b1, upd_w2, upd_b2):
    # PyG convention: edge_index[0] = source (j), edge_index[1] = target (i); aggr='add' onto target.
    src = edge_index[0]
    dst = edge_index[1]
    h = x @ enc_w + enc_b  # encoder
    h_update = None
    # Faithful to the original forward: h is NOT updated inside the loop;
    # every layer sees the encoded h, and only the last h_update is added after the loop.
    for l in range(L):
        x_i = jnp.take(h, dst, axis=0)  # gather target node feats
        x_j = jnp.take(h, src, axis=0)  # gather source node feats
        combined = jnp.concatenate([x_i, x_j, edge_attr], axis=-1)
        m = jax.nn.relu(combined @ msg_w1[l] + msg_b1[l]) @ msg_w2[l] + msg_b2[l]
        aggr = jnp.zeros_like(h).at[dst].add(m)  # scatter-add to target nodes
        comb2 = jnp.concatenate([h, aggr], axis=-1)
        h_update = jax.nn.relu(comb2 @ upd_w1[l] + upd_b1[l]) @ upd_w2[l] + upd_b2[l]
    h = h + h_update
    return h @ dec_w + dec_b  # decoder

if __name__ == "__main__":
    import jax
    _d = setup_inputs()
    print(jax.jit(kernel)(*tuple(_d.values())))

</pallas_src>

<mosaic_0001>
#map = affine_map<(d0, d1) -> (0, 0)>
#map1 = affine_map<(d0, d1) -> (0, 0, 0)>
module attributes {stable_mosaic.version = 14 : i64} {
  func.func @_sc_body(%arg0: i32, %arg1: i32, %arg2: memref<10000x128xf32, #tpu.memory_space<hbm>>, %arg3: memref<10000x128xf32, #tpu.memory_space<hbm>>, %arg4: memref<2x320000xi32, #tpu.memory_space<hbm>>, %arg5: memref<3x320000xf32, #tpu.memory_space<hbm>>, %arg6: memref<3x128xf32, #tpu.memory_space<hbm>>, %arg7: memref<80x128xf32, #tpu.memory_space<hbm>>, %arg8: memref<80x16xf32, #tpu.memory_space<hbm>>, %arg9: memref<40x16xf32, #tpu.memory_space<hbm>>, %arg10: memref<2x10000x128xf32, #tpu.memory_space<hbm>>, %arg11: memref<2x10000x16xf32, #tpu.memory_space<hbm>>, %arg12: memref<4x2x40xi32, #tpu.memory_space<vmem>>, %arg13: memref<4x3x40xf32, #tpu.memory_space<vmem>>, %arg14: memref<3x128xf32, #tpu.memory_space<vmem>>, %arg15: memref<3x40x128xf32, #tpu.memory_space<vmem>>, %arg16: memref<3x40x128xf32, #tpu.memory_space<vmem>>, %arg17: memref<40x16xf32, #tpu.memory_space<vmem>>, %arg18: memref<10000x128xf32, #tpu.memory_space<vmem_shared>>, %arg19: memref<10000x16xf32, #tpu.memory_space<vmem_shared>>, %arg20: memref<4x!tpu.dma_semaphore, #tpu.memory_space<semaphore_mem>>, %arg21: memref<3x!tpu.dma_semaphore, #tpu.memory_space<semaphore_mem>>, %arg22: memref<3x!tpu.dma_semaphore, #tpu.memory_space<semaphore_mem>>) attributes {dimension_semantics = [#tpu.dimension_semantics<core_parallel>, #tpu.dimension_semantics<subcore_parallel>], iteration_bounds = array<i64: 2, 16>, scalar_prefetch = 0 : i64, scratch_operands = 11 : i64, tpu.core_type = #tpu.core_type<sc_vector_subcore>, window_params = [{transform_indices = #map}, {transform_indices = #map}, {transform_indices = #map}, {transform_indices = #map}, {transform_indices = #map}, {transform_indices = #map}, {transform_indices = #map}, {transform_indices = #map}, {transform_indices = #map1}, {transform_indices = #map1}]} {
    %mul3A = arith.constant 2 : i32
    %mul3A_0 = arith.muli %arg1, %mul3A : i32
    %add3A = arith.addi %mul3A_0, %arg0 : i32
    %mul3A_1 = arith.constant 625 : i32
    %mul3A_2 = arith.muli %arg1, %mul3A_1 : i32
    %add3A_3 = arith.constant 0 : i32
    %add3A_4 = arith.addi %mul3A_2, %add3A_3 : i32
    "tpu.region"() ({
      %run_scoped3A = tpu.sem_alloc : memref<!tpu.dma_semaphore, #tpu.memory_space<semaphore_mem>>
      %dma_start3A_334 = arith.constant 0 : i32
      %dma_start3A_335 = tpu.memref_slice %arg18[%add3A_4, %dma_start3A_334] : memref<10000x128xf32, #tpu.memory_space<vmem_shared>> -> memref<80x128xf32, #tpu.memory_space<vmem_shared>>
      tpu.enqueue_dma source(%arg7 : memref<80x128xf32, #tpu.memory_space<hbm>>) target(%dma_start3A_335 : memref<80x128xf32, #tpu.memory_space<vmem_shared>>) target_semaphore(%run_scoped3A : memref<!tpu.dma_semaphore, #tpu.memory_space<semaphore_mem>>)
      %dma_wait3A_336 = arith.constant 0 : i32
      %dma_wait3A_337 = tpu.memref_slice %arg18[%add3A_4, %dma_wait3A_336] : memref<10000x128xf32, #tpu.memory_space<vmem_shared>> -> memref<80x128xf32, #tpu.memory_space<vmem_shared>>
      tpu.wait_dma2 semaphore(%run_scoped3A : memref<!tpu.dma_semaphore, #tpu.memory_space<semaphore_mem>>) src(%arg7 : memref<80x128xf32, #tpu.memory_space<hbm>>) dst(%dma_wait3A_337 : memref<80x128xf32, #tpu.memory_space<vmem_shared>>)
      tpu.yield
    }) : () -> ()
    %add3A_5 = arith.constant 0 : i32
    %add3A_6 = arith.addi %mul3A_2, %add3A_5 : i32
    "tpu.region"() ({
      %run_scoped3A = tpu.sem_alloc : memref<!tpu.dma_semaphore, #tpu.memory_space<semaphore_mem>>
      %dma_start3A_334 = arith.constant 0 : i32
      %dma_start3A_335 = tpu.memref_slice %arg19[%add3A_6, %dma_start3A_334] : memref<10000x16xf32, #tpu.memory_space<vmem_shared>> -> memref<80x16xf32, #tpu.memory_space<vmem_shared>>
      tpu.enqueue_dma source(%arg8 : memref<80x16xf32, #tpu.memory_space<hbm>>) target(%dma_start3A_335 : memref<80x16xf32, #tpu.memory_space<vmem_shared>>) target_semaphore(%run_scoped3A : memref<!tpu.dma_semaphore, #tpu.memory_space<semaphore_mem>>)
      %dma_wait3A_336 = arith.constant 0 : i32
      %dma_wait3A_337 = tpu.memref_slice %arg19[%add3A_6, %dma_wait3A_336] : memref<10000x16xf32, #tpu.memory_space<vmem_shared>> -> memref<80x16xf32, #tpu.memory_space<vmem_shared>>
      tpu.wait_dma2 semaphore(%run_scoped3A : memref<!tpu.dma_semaphore, #tpu.memory_space<semaphore_mem>>) src(%arg8 : memref<80x16xf32, #tpu.memory_space<hbm>>) dst(%dma_wait3A_337 : memref<80x16xf32, #tpu.memory_space<vmem_shared>>)
      tpu.yield
    }) : () -> ()
    %add3A_7 = arith.constant 80 : i32
    %add3A_8 = arith.addi %mul3A_2, %add3A_7 : i32
    "tpu.region"() ({
      %run_scoped3A = tpu.sem_alloc : memref<!tpu.dma_semaphore, #tpu.memory_space<semaphore_mem>>
      %dma_start3A_334 = arith.constant 0 : i32
      %dma_start3A_335 = tpu.memref_slice %arg18[%add3A_8, %dma_start3A_334] : memref<10000x128xf32, #tpu.memory_space<vmem_shared>> -> memref<80x128xf32, #tpu.memory_space<vmem_shared>>
      tpu.enqueue_dma source(%arg7 : memref<80x128xf32, #tpu.memory_space<hbm>>) target(%dma_start3A_335 : memref<80x128xf32, #tpu.memory_space<vmem_shared>>) target_semaphore(%run_scoped3A : memref<!tpu.dma_semaphore, #tpu.memory_space<semaphore_mem>>)
      %dma_wait3A_336 = arith.constant 0 : i32
      %dma_wait3A_337 = tpu.memref_slice %arg18[%add3A_8, %dma_wait3A_336] : memref<10000x128xf32, #tpu.memory_space<vmem_shared>> -> memref<80x128xf32, #tpu.memory_space<vmem_shared>>
      tpu.wait_dma2 semaphore(%run_scoped3A : memref<!tpu.dma_semaphore, #tpu.memory_space<semaphore_mem>>) src(%arg7 : memref<80x128xf32, #tpu.memory_space<hbm>>) dst(%dma_wait3A_337 : memref<80x128xf32, #tpu.memory_space<vmem_shared>>)
      tpu.yield
    }) : () -> ()
    %add3A_9 = arith.constant 80 : i32
    %add3A_10 = arith.addi %mul3A_2, %add3A_9 : i32
    "tpu.region"() ({
      %run_scoped3A = tpu.sem_alloc : memref<!tpu.dma_semaphore, #tpu.memory_space<semaphore_mem>>
      %dma_start3A_334 = arith.constant 0 : i32
      %dma_start3A_335 = tpu.memref_slice %arg19[%add3A_10, %dma_start3A_334] : memref<10000x16xf32, #tpu.memory_space<vmem_shared>> -> memref<80x16xf32, #tpu.memory_space<vmem_shared>>
      tpu.enqueue_dma source(%arg8 : memref<80x16xf32, #tpu.memory_space<hbm>>) target(%dma_start3A_335 : memref<80x16xf32, #tpu.memory_space<vmem_shared>>) target_semaphore(%run_scoped3A : memref<!tpu.dma_semaphore, #tpu.memory_space<semaphore_mem>>)
      %dma_wait3A_336 = arith.constant 0 : i32
      %dma_wait3A_337 = tpu.memref_slice %arg19[%add3A_10, %dma_wait3A_336] : memref<10000x16xf32, #tpu.memory_space<vmem_shared>> -> memref<80x16xf32, #tpu.memory_space<vmem_shared>>
      tpu.wait_dma2 semaphore(%run_scoped3A : memref<!tpu.dma_semaphore, #tpu.memory_space<semaphore_mem>>) src(%arg8 : memref<80x16xf32, #tpu.memory_space<hbm>>) dst(%dma_wait3A_337 : memref<80x16xf32, #tpu.memory_space<vmem_shared>>)
      tpu.yield
    }) : () -> ()
    %add3A_11 = arith.constant 160 : i32
    %add3A_12 = arith.addi %mul3A_2, %add3A_11 : i32
    "tpu.region"() ({
      %run_scoped3A = tpu.sem_alloc : memref<!tpu.dma_semaphore, #tpu.memory_space<semaphore_mem>>
      %dma_start3A_334 = arith.constant 0 : i32
      %dma_start3A_335 = tpu.memref_slice %arg18[%add3A_12, %dma_start3A_334] : memref<10000x128xf32, #tpu.memory_space<vmem_shared>> -> memref<80x128xf32, #tpu.memory_space<vmem_shared>>
      tpu.enqueue_dma source(%arg7 : memref<80x128xf32, #tpu.memory_space<hbm>>) target(%dma_start3A_335 : memref<80x128xf32, #tpu.memory_space<vmem_shared>>) target_semaphore(%run_scoped3A : memref<!tpu.dma_semaphore, #tpu.memory_space<semaphore_mem>>)
      %dma_wait3A_336 = arith.constant 0 : i32
      %dma_wait3A_337 = tpu.memref_slice %arg18[%add3A_12, %dma_wait3A_336] : memref<10000x128xf32, #tpu.memory_space<vmem_shared>> -> memref<80x128xf32, #tpu.memory_space<vmem_shared>>
      tpu.wait_dma2 semaphore(%run_scoped3A : memref<!tpu.dma_semaphore, #tpu.memory_space<semaphore_mem>>) src(%arg7 : memref<80x128xf32, #tpu.memory_space<hbm>>) dst(%dma_wait3A_337 : memref<80x128xf32, #tpu.memory_space<vmem_shared>>)
      tpu.yield
    }) : () -> ()
    %add3A_13 = arith.constant 160 : i32
    %add3A_14 = arith.addi %mul3A_2, %add3A_13 : i32
    "tpu.region"() ({
      %run_scoped3A = tpu.sem_alloc : memref<!tpu.dma_semaphore, #tpu.memory_space<semaphore_mem>>
      %dma_start3A_334 = arith.constant 0 : i32
      %dma_start3A_335 = tpu.memref_slice %arg19[%add3A_14, %dma_start3A_334] : memref<10000x16xf32, #tpu.memory_space<vmem_shared>> -> memref<80x16xf32, #tpu.memory_space<vmem_shared>>
      tpu.enqueue_dma source(%arg8 : memref<80x16xf32, #tpu.memory_space<hbm>>) target(%dma_start3A_335 : memref<80x16xf32, #tpu.memory_space<vmem_shared>>) target_semaphore(%run_scoped3A : memref<!tpu.dma_semaphore, #tpu.memory_space<semaphore_mem>>)
      %dma_wait3A_336 = arith.constant 0 : i32
      %dma_wait3A_337 = tpu.memref_slice %arg19[%add3A_14, %dma_wait3A_336] : memref<10000x16xf32, #tpu.memory_space<vmem_shared>> -> memref<80x16xf32, #tpu.memory_space<vmem_shared>>
      tpu.wait_dma2 semaphore(%run_scoped3A : memref<!tpu.dma_semaphore, #tpu.memory_space<semaphore_mem>>) src(%arg8 : memref<80x16xf32, #tpu.memory_space<hbm>>) dst(%dma_wait3A_337 : memref<80x16xf32, #tpu.memory_space<vmem_shared>>)
      tpu.yield
    }) : () -> ()
    %add3A_15 = arith.constant 240 : i32
    %add3A_16 = arith.addi %mul3A_2, %add3A_15 : i32
    "tpu.region"() ({
      %run_scoped3A = tpu.sem_alloc : memref<!tpu.dma_semaphore, #tpu.memory_space<semaphore_mem>>
      %dma_start3A_334 = arith.constant 0 : i32
      %dma_start3A_335 = tpu.memref_slice %arg18[%add3A_16, %dma_start3A_334] : memref<10000x128xf32, #tpu.memory_space<vmem_shared>> -> memref<80x128xf32, #tpu.memory_space<vmem_shared>>
      tpu.enqueue_dma source(%arg7 : memref<80x128xf32, #tpu.memory_space<hbm>>) target(%dma_start3A_335 : memref<80x128xf32, #tpu.memory_space<vmem_shared>>) target_semaphore(%run_scoped3A : memref<!tpu.dma_semaphore, #tpu.memory_space<semaphore_mem>>)
      %dma_wait3A_336 = arith.constant 0 : i32
      %dma_wait3A_337 = tpu.memref_slice %arg18[%add3A_16, %dma_wait3A_336] : memref<10000x128xf32, #tpu.memory_space<vmem_shared>> -> memref<80x128xf32, #tpu.memory_space<vmem_shared>>
      tpu.wait_dma2 semaphore(%run_scoped3A : memref<!tpu.dma_semaphore, #tpu.memory_space<semaphore_mem>>) src(%arg7 : memref<80x128xf32, #tpu.memory_space<hbm>>) dst(%dma_wait3A_337 : memref<80x128xf32, #tpu.memory_space<vmem_shared>>)
      tpu.yield
    }) : () -> ()
    %add3A_17 = arith.constant 240 : i32
    %add3A_18 = arith.addi %mul3A_2, %add3A_17 : i32
    "tpu.region"() ({
      %run_scoped3A = tpu.sem_alloc : memref<!tpu.dma_semaphore, #tpu.memory_space<semaphore_mem>>
      %dma_start3A_334 = arith.constant 0 : i32
      %dma_start3A_335 = tpu.memref_slice %arg19[%add3A_18, %dma_start3A_334] : memref<10000x16xf32, #tpu.memory_space<vmem_shared>> -> memref<80x16xf32, #tpu.memory_space<vmem_shared>>
      tpu.enqueue_dma source(%arg8 : memref<80x16xf32, #tpu.memory_space<hbm>>) target(%dma_start3A_335 : memref<80x16xf32, #tpu.memory_space<vmem_shared>>) target_semaphore(%run_scoped3A : memref<!tpu.dma_semaphore, #tpu.memory_space<semaphore_mem>>)
      %dma_wait3A_336 = arith.constant 0 : i32
      %dma_wait3A_337 = tpu.memref_slice %arg19[%add3A_18, %dma_wait3A_336] : memref<10000x16xf32, #tpu.memory_space<vmem_shared>> -> memref<80x16xf32, #tpu.memory_space<vmem_shared>>
      tpu.wait_dma2 semaphore(%run_scoped3A : memref<!tpu.dma_semaphore, #tpu.memory_space<semaphore_mem>>) src(%arg8 : memref<80x16xf32, #tpu.memory_space<hbm>>) dst(%dma_wait3A_337 : memref<80x16xf32, #tpu.memory_space<vmem_shared>>)
      tpu.yield
    }) : () -> ()
    %add3A_19 = arith.constant 320 : i32
    %add3A_20 = arith.addi %mul3A_2, %add3A_19 : i32
    "tpu.region"() ({
      %run_scoped3A = tpu.sem_alloc : memref<!tpu.dma_semaphore, #tpu.memory_space<semaphore_mem>>
      %dma_start3A_334 = arith.constant 0 : i32
      %dma_start3A_335 = tpu.memref_slice %arg18[%add3A_20, %dma_start3A_334] : memref<10000x128xf32, #tpu.memory_space<vmem_shared>> -> memref<80x128xf32, #tpu.memory_space<vmem_shared>>
      tpu.enqueue_dma source(%arg7 : memref<80x128xf32, #tpu.memory_space<hbm>>) target(%dma_start3A_335 : memref<80x128xf32, #tpu.memory_space<vmem_shared>>) target_semaphore(%run_scoped3A : memref<!tpu.dma_semaphore, #tpu.memory_space<semaphore_mem>>)
      %dma_wait3A_336 = arith.constant 0 : i32
      %dma_wait3A_337 = tpu.memref_slice %arg18[%add3A_20, %dma_wait3A_336] : memref<10000x128xf32, #tpu.memory_space<vmem_shared>> -> memref<80x128xf32, #tpu.memory_space<vmem_shared>>
      tpu.wait_dma2 semaphore(%run_scoped3A : memref<!tpu.dma_semaphore, #tpu.memory_space<semaphore_mem>>) src(%arg7 : memref<80x128xf32, #tpu.memory_space<hbm>>) dst(%dma_wait3A_337 : memref<80x128xf32, #tpu.memory_space<vmem_shared>>)
      tpu.yield
    }) : () -> ()
    %add3A_21 = arith.constant 320 : i32
    %add3A_22 = arith.addi %mul3A_2, %add3A_21 : i32
    "tpu.region"() ({
      %run_scoped3A = tpu.sem_alloc : memref<!tpu.dma_semaphore, #tpu.memory_space<semaphore_mem>>
      %dma_start3A_334 = arith.constant 0 : i32
      %dma_start3A_335 = tpu.memref_slice %arg19[%add3A_22, %dma_start3A_334] : memref<10000x16xf32, #tpu.memory_space<vmem_shared>> -> memref<80x16xf32, #tpu.memory_space<vmem_shared>>
      tpu.enqueue_dma source(%arg8 : memref<80x16xf32, #tpu.memory_space<hbm>>) target(%dma_start3A_335 : memref<80x16xf32, #tpu.memory_space<vmem_shared>>) target_semaphore(%run_scoped3A : memref<!tpu.dma_semaphore, #tpu.memory_space<semaphore_mem>>)
      %dma_wait3A_336 = arith.constant 0 : i32
      %dma_wait3A_337 = tpu.memref_slice %arg19[%add3A_22, %dma_wait3A_336] : memref<10000x16xf32, #tpu.memory_space<vmem_shared>> -> memref<80x16xf32, #tpu.memory_space<vmem_shared>>
      tpu.wait_dma2 semaphore(%run_scoped3A : memref<!tpu.dma_semaphore, #tpu.memory_space<semaphore_mem>>) src(%arg8 : memref<80x16xf32, #tpu.memory_space<hbm>>) dst(%dma_wait3A_337 : memref<80x16xf32, #tpu.memory_space<vmem_shared>>)
      tpu.yield
    }) : () -> ()
    %add3A_23 = arith.constant 400 : i32
    %add3A_24 = arith.addi %mul3A_2, %add3A_23 : i32
    "tpu.region"() ({
      %run_scoped3A = tpu.sem_alloc : memref<!tpu.dma_semaphore, #tpu.memory_space<semaphore_mem>>
      %dma_start3A_334 = arith.constant 0 : i32
      %dma_start3A_335 = tpu.memref_slice %arg18[%add3A_24, %dma_start3A_334] : memref<10000x128xf32, #tpu.memory_space<vmem_shared>> -> memref<80x128xf32, #tpu.memory_space<vmem_shared>>
      tpu.enqueue_dma source(%arg7 : memref<80x128xf32, #tpu.memory_space<hbm>>) target(%dma_start3A_335 : memref<80x128xf32, #tpu.memory_space<vmem_shared>>) target_semaphore(%run_scoped3A : memref<!tpu.dma_semaphore, #tpu.memory_space<semaphore_mem>>)
      %dma_wait3A_336 = arith.constant 0 : i32
      %dma_wait3A_337 = tpu.memref_slice %arg18[%add3A_24, %dma_wait3A_336] : memref<10000x128xf32, #tpu.memory_space<vmem_shared>> -> memref<80x128xf32, #tpu.memory_space<vmem_shared>>
      tpu.wait_dma2 semaphore(%run_scoped3A : memref<!tpu.dma_semaphore, #tpu.memory_space<semaphore_mem>>) src(%arg7 : memref<80x128xf32, #tpu.memory_space<hbm>>) dst(%dma_wait3A_337 : memref<80x128xf32, #tpu.memory_space<vmem_shared>>)
      tpu.yield
    }) : () -> ()
    %add3A_25 = arith.constant 400 : i32
    %add3A_26 = arith.addi %mul3A_2, %add3A_25 : i32
    "tpu.region"() ({
      %run_scoped3A = tpu.sem_alloc : memref<!tpu.dma_semaphore, #tpu.memory_space<semaphore_mem>>
      %dma_start3A_334 = arith.constant 0 : i32
      %dma_start3A_335 = tpu.memref_slice %arg19[%add3A_26, %dma_start3A_334] : memref<10000x16xf32, #tpu.memory_space<vmem_shared>> -> memref<80x16xf32, #tpu.memory_space<vmem_shared>>
      tpu.enqueue_dma source(%arg8 : memref<80x16xf32, #tpu.memory_space<hbm>>) target(%dma_start3A_335 : memref<80x16xf32, #tpu.memory_space<vmem_shared>>) target_semaphore(%run_scoped3A : memref<!tpu.dma_semaphore, #tpu.memory_space<semaphore_mem>>)
      %dma_wait3A_336 = arith.constant 0 : i32
      %dma_wait3A_337 = tpu.memref_slice %arg19[%add3A_26, %dma_wait3A_336] : memref<10000x16xf32, #tpu.memory_space<vmem_shared>> -> memref<80x16xf32, #tpu.memory_space<vmem_shared>>
      tpu.wait_dma2 semaphore(%run_scoped3A : memref<!tpu.dma_semaphore, #tpu.memory_space<semaphore_mem>>) src(%arg8 : memref<80x16xf32, #tpu.memory_space<hbm>>) dst(%dma_wait3A_337 : memref<80x16xf32, #tpu.memory_space<vmem_shared>>)
      tpu.yield
    }) : () -> ()
    %add3A_27 = arith.constant 480 : i32
    %add3A_28 = arith.addi %mul3A_2, %add3A_27 : i32
    "tpu.region"() ({
      %run_scoped3A = tpu.sem_alloc : memref<!tpu.dma_semaphore, #tpu.memory_space<semaphore_mem>>
      %dma_start3A_334 = arith.constant 0 : i32
      %dma_start3A_335 = tpu.memref_slice %arg18[%add3A_28, %dma_start3A_334] : memref<10000x128xf32, #tpu.memory_space<vmem_shared>> -> memref<80x128xf32, #tpu.memory_space<vmem_shared>>
      tpu.enqueue_dma source(%arg7 : memref<80x128xf32, #tpu.memory_space<hbm>>) target(%dma_start3A_335 : memref<80x128xf32, #tpu.memory_space<vmem_shared>>) target_semaphore(%run_scoped3A : memref<!tpu.dma_semaphore, #tpu.memory_space<semaphore_mem>>)
      %dma_wait3A_336 = arith.constant 0 : i32
      %dma_wait3A_337 = tpu.memref_slice %arg18[%add3A_28, %dma_wait3A_336] : memref<10000x128xf32, #tpu.memory_space<vmem_shared>> -> memref<80x128xf32, #tpu.memory_space<vmem_shared>>
      tpu.wait_dma2 semaphore(%run_scoped3A : memref<!tpu.dma_semaphore, #tpu.memory_space<semaphore_mem>>) src(%arg7 : memref<80x128xf32, #tpu.memory_space<hbm>>) dst(%dma_wait3A_337 : memref<80x128xf32, #tpu.memory_space<vmem_shared>>)
      tpu.yield
    }) : () -> ()
    %add3A_29 = arith.constant 480 : i32
    %add3A_30 = arith.addi %mul3A_2, %add3A_29 : i32
    "tpu.region"() ({
      %run_scoped3A = tpu.sem_alloc : memref<!tpu.dma_semaphore, #tpu.memory_space<semaphore_mem>>
      %dma_start3A_334 = arith.constant 0 : i32
      %dma_start3A_335 = tpu.memref_slice %arg19[%add3A_30, %dma_start3A_334] : memref<10000x16xf32, #tpu.memory_space<vmem_shared>> -> memref<80x16xf32, #tpu.memory_space<vmem_shared>>
      tpu.enqueue_dma source(%arg8 : memref<80x16xf32, #tpu.memory_space<hbm>>) target(%dma_start3A_335 : memref<80x16xf32, #tpu.memory_space<vmem_shared>>) target_semaphore(%run_scoped3A : memref<!tpu.dma_semaphore, #tpu.memory_space<semaphore_mem>>)
      %dma_wait3A_336 = arith.constant 0 : i32
      %dma_wait3A_337 = tpu.memref_slice %arg19[%add3A_30, %dma_wait3A_336] : memref<10000x16xf32, #tpu.memory_space<vmem_shared>> -> memref<80x16xf32, #tpu.memory_space<vmem_shared>>
      tpu.wait_dma2 semaphore(%run_scoped3A : memref<!tpu.dma_semaphore, #tpu.memory_space<semaphore_mem>>) src(%arg8 : memref<80x16xf32, #tpu.memory_space<hbm>>) dst(%dma_wait3A_337 : memref<80x16xf32, #tpu.memory_space<vmem_shared>>)
      tpu.yield
    }) : () -> ()
    %add3A_31 = arith.constant 560 : i32
    %add3A_32 = arith.addi %mul3A_2, %add3A_31 : i32
    "tpu.region"() ({
      %run_scoped3A = tpu.sem_alloc : memref<!tpu.dma_semaphore, #tpu.memory_space<semaphore_mem>>
      %dma_start3A_334 = arith.constant 0 : i32
      %dma_start3A_335 = tpu.memref_slice %arg18[%add3A_32, %dma_start3A_334] : memref<10000x128xf32, #tpu.memory_space<vmem_shared>> -> memref<65x128xf32, #tpu.memory_space<vmem_shared>>
      %dma_start3A_336 = arith.constant 0 : i32
      %dma_start3A_337 = arith.constant 0 : i32
      %dma_start3A_338 = tpu.memref_slice %arg7[%dma_start3A_336, %dma_start3A_337] : memref<80x128xf32, #tpu.memory_space<hbm>> -> memref<65x128xf32, #tpu.memory_space<hbm>>
      tpu.enqueue_dma source(%dma_start3A_338 : memref<65x128xf32, #tpu.memory_space<hbm>>) target(%dma_start3A_335 : memref<65x128xf32, #tpu.memory_space<vmem_shared>>) target_semaphore(%run_scoped3A : memref<!tpu.dma_semaphore, #tpu.memory_space<semaphore_mem>>)
      %dma_wait3A_339 = arith.constant 0 : i32
      %dma_wait3A_340 = tpu.memref_slice %arg18[%add3A_32, %dma_wait3A_339] : memref<10000x128xf32, #tpu.memory_space<vmem_shared>> -> memref<65x128xf32, #tpu.memory_space<vmem_shared>>
      %dma_wait3A_341 = arith.constant 0 : i32
      %dma_wait3A_342 = arith.constant 0 : i32
      %dma_wait3A_343 = tpu.memref_slice %arg7[%dma_wait3A_341, %dma_wait3A_342] : memref<80x128xf32, #tpu.memory_space<hbm>> -> memref<65x128xf32, #tpu.memory_space<hbm>>
      tpu.wait_dma2 semaphore(%run_scoped3A : memref<!tpu.dma_semaphore, #tpu.memory_space<semaphore_mem>>) src(%dma_wait3A_343 : memref<65x128xf32, #tpu.memory_space<hbm>>) dst(%dma_wait3A_340 : memref<65x128xf32, #tpu.memory_space<vmem_shared>>)
      tpu.yield
    }) : () -> ()
    %add3A_33 = arith.constant 560 : i32
    %add3A_34 = arith.addi %mul3A_2, %add3A_33 : i32
    "tpu.region"() ({
      %run_scoped3A = tpu.sem_alloc : memref<!tpu.dma_semaphore, #tpu.memory_space<semaphore_mem>>
      %dma_start3A_334 = arith.constant 0 : i32
      %dma_start3A_335 = tpu.memref_slice %arg19[%add3A_34, %dma_start3A_334] : memref<10000x16xf32, #tpu.memory_space<vmem_shared>> -> memref<65x16xf32, #tpu.memory_space<vmem_shared>>
      %dma_start3A_336 = arith.constant 0 : i32
      %dma_start3A_337 = arith.constant 0 : i32
      %dma_start3A_338 = tpu.memref_slice %arg8[%dma_start3A_336, %dma_start3A_337] : memref<80x16xf32, #tpu.memory_space<hbm>> -> memref<65x16xf32, #tpu.memory_space<hbm>>
      tpu.enqueue_dma source(%dma_start3A_338 : memref<65x16xf32, #tpu.memory_space<hbm>>) target(%dma_start3A_335 : memref<65x16xf32, #tpu.memory_space<vmem_shared>>) target_semaphore(%run_scoped3A : memref<!tpu.dma_semaphore, #tpu.memory_space<semaphore_mem>>)
      %dma_wait3A_339 = arith.constant 0 : i32
      %dma_wait3A_340 = tpu.memref_slice %arg19[%add3A_34, %dma_wait3A_339] : memref<10000x16xf32, #tpu.memory_space<vmem_shared>> -> memref<65x16xf32, #tpu.memory_space<vmem_shared>>
      %dma_wait3A_341 = arith.constant 0 : i32
      %dma_wait3A_342 = arith.constant 0 : i32
      %dma_wait3A_343 = tpu.memref_slice %arg8[%dma_wait3A_341, %dma_wait3A_342] : memref<80x16xf32, #tpu.memory_space<hbm>> -> memref<65x16xf32, #tpu.memory_space<hbm>>
      tpu.wait_dma2 semaphore(%run_scoped3A : memref<!tpu.dma_semaphore, #tpu.memory_space<semaphore_mem>>) src(%dma_wait3A_343 : memref<65x16xf32, #tpu.memory_space<hbm>>) dst(%dma_wait3A_340 : memref<65x16xf32, #tpu.memory_space<vmem_shared>>)
      tpu.yield
    }) : () -> ()
    "tpu.region"() ({
      %run_scoped3A = tpu.sem_alloc : memref<!tpu.dma_semaphore, #tpu.memory_space<semaphore_mem>>
      tpu.enqueue_dma source(%arg6 : memref<3x128xf32, #tpu.memory_space<hbm>>) target(%arg14 : memref<3x128xf32, #tpu.memory_space<vmem>>) target_semaphore(%run_scoped3A : memref<!tpu.dma_semaphore, #tpu.memory_space<semaphore_mem>>)
      tpu.wait_dma2 semaphore(%run_scoped3A : memref<!tpu.dma_semaphore, #tpu.memory_space<semaphore_mem>>) src(%arg6 : memref<3x128xf32, #tpu.memory_space<hbm>>) dst(%arg14 : memref<3x128xf32, #tpu.memory_space<vmem>>)
      tpu.yield
    }) : () -> ()
    "tpu.region"() ({
      %run_scoped3A = tpu.sem_alloc : memref<!tpu.dma_semaphore, #tpu.memory_space<semaphore_mem>>
      tpu.enqueue_dma source(%arg9 : memref<40x16xf32, #tpu.memory_space<hbm>>) target(%arg17 : memref<40x16xf32, #tpu.memory_space<vmem>>) target_semaphore(%run_scoped3A : memref<!tpu.dma_semaphore, #tpu.memory_space<semaphore_mem>>)
      tpu.wait_dma2 semaphore(%run_scoped3A : memref<!tpu.dma_semaphore, #tpu.memory_space<semaphore_mem>>) src(%arg9 : memref<40x16xf32, #tpu.memory_space<hbm>>) dst(%arg17 : memref<40x16xf32, #tpu.memory_space<vmem>>)
      tpu.yield
    }) : () -> ()
    %barrier3A = arith.constant 0 : index
    tpu.barrier barrier_id(%barrier3A)
    %get3A = arith.constant 0 : i32
    %get3A_35 = arith.index_cast %get3A : i32 to index
    %get3A_36 = arith.constant 0 : index
    %get3A_37 = tpu.vector_load %arg14[%get3A_35, %get3A_36] {strides = array<i32>} : memref<3x128xf32, #tpu.memory_space<vmem>>, vector<16xf32>,
    %get3A_38 = arith.constant 0 : i32
    %get3A_39 = arith.index_cast %get3A_38 : i32 to index
    %get3A_40 = arith.constant 16 : index
    %get3A_41 = tpu.vector_load %arg14[%get3A_39, %get3A_40] {strides = array<i32>} : memref<3x128xf32, #tpu.memory_space<vmem>>, vector<16xf32>,
    %get3A_42 = arith.constant 0 : i32
    %get3A_43 = arith.index_cast %get3A_42 : i32 to index
    %get3A_44 = arith.constant 32 : index
    %get3A_45 = tpu.vector_load %arg14[%get3A_43, %get3A_44] {strides = array<i32>} : memref<3x128xf32, #tpu.memory_space<vmem>>, vector<16xf32>,
    %get3A_46 = arith.constant 0 : i32
    %get3A_47 = arith.index_cast %get3A_46 : i32 to index
    %get3A_48 = arith.constant 48 : index
    %get3A_49 = tpu.vector_load %arg14[%get3A_47, %get3A_48] {strides = array<i32>} : memref<3x128xf32, #tpu.memory_space<vmem>>, vector<16xf32>,
    %get3A_50 = arith.constant 0 : i32
    %get3A_51 = arith.index_cast %get3A_50 : i32 to index
    %get3A_52 = arith.constant 64 : index
    %get3A_53 = tpu.vector_load %arg14[%get3A_51, %get3A_52] {strides = array<i32>} : memref<3x128xf32, #tpu.memory_space<vmem>>, vector<16xf32>,
    %get3A_54 = arith.constant 0 : i32
    %get3A_55 = arith.index_cast %get3A_54 : i32 to index
    %get3A_56 = arith.constant 80 : index
    %get3A_57 = tpu.vector_load %arg14[%get3A_55, %get3A_56] {strides = array<i32>} : memref<3x128xf32, #tpu.memory_space<vmem>>, vector<16xf32>,
    %get3A_58 = arith.constant 0 : i32
    %get3A_59 = arith.index_cast %get3A_58 : i32 to index
    %get3A_60 = arith.constant 96 : index
    %get3A_61 = tpu.vector_load %arg14[%get3A_59, %get3A_60] {strides = array<i32>} : memref<3x128xf32, #tpu.memory_space<vmem>>, vector<16xf32>,
    %get3A_62 = arith.constant 0 : i32
    %get3A_63 = arith.index_cast %get3A_62 : i32 to index
    %get3A_64 = arith.constant 112 : index
    %get3A_65 = tpu.vector_load %arg14[%get3A_63, %get3A_64] {strides = array<i32>} : memref<3x128xf32, #tpu.memory_space<vmem>>, vector<16xf32>,
    %get3A_66 = arith.constant 1 : i32
    %get3A_67 = arith.index_cast %get3A_66 : i32 to index
    %get3A_68 = arith.constant 0 : index
    %get3A_69 = tpu.vector_load %arg14[%get3A_67, %get3A_68] {strides = array<i32>} : memref<3x128xf32, #tpu.memory_space<vmem>>, vector<16xf32>,
    %get3A_70 = arith.constant 1 : i32
    %get3A_71 = arith.index_cast %get3A_70 : i32 to index
    %get3A_72 = arith.constant 16 : index
    %get3A_73 = tpu.vector_load %arg14[%get3A_71, %get3A_72] {strides = array<i32>} : memref<3x128xf32, #tpu.memory_space<vmem>>, vector<16xf32>,
    %get3A_74 = arith.constant 1 : i32
    %get3A_75 = arith.index_cast %get3A_74 : i32 to index
    %get3A_76 = arith.constant 32 : index
    %get3A_77 = tpu.vector_load %arg14[%get3A_75, %get3A_76] {strides = array<i32>} : memref<3x128xf32, #tpu.memory_space<vmem>>, vector<16xf32>,
    %get3A_78 = arith.constant 1 : i32
    %get3A_79 = arith.index_cast %get3A_78 : i32 to index
    %get3A_80 = arith.constant 48 : index
    %get3A_81 = tpu.vector_load %arg14[%get3A_79, %get3A_80] {strides = array<i32>} : memref<3x128xf32, #tpu.memory_space<vmem>>, vector<16xf32>,
    %get3A_82 = arith.constant 1 : i32
    %get3A_83 = arith.index_cast %get3A_82 : i32 to index
    %get3A_84 = arith.constant 64 : index
    %get3A_85 = tpu.vector_load %arg14[%get3A_83, %get3A_84] {strides = array<i32>} : memref<3x128xf32, #tpu.memory_space<vmem>>, vector<16xf32>,
    %get3A_86 = arith.constant 1 : i32
    %get3A_87 = arith.index_cast %get3A_86 : i32 to index
    %get3A_88 = arith.constant 80 : index
    %get3A_89 = tpu.vector_load %arg14[%get3A_87, %get3A_88] {strides = array<i32>} : memref<3x128xf32, #tpu.memory_space<vmem>>, vector<16xf32>,
    %get3A_90 = arith.constant 1 : i32
    %get3A_91 = arith.index_cast %get3A_90 : i32 to index
    %get3A_92 = arith.constant 96 : index
    %get3A_93 = tpu.vector_load %arg14[%get3A_91, %get3A_92] {strides = array<i32>} : memref<3x128xf32, #tpu.memory_space<vmem>>, vector<16xf32>,
    %get3A_94 = arith.constant 1 : i32
    %get3A_95 = arith.index_cast %get3A_94 : i32 to index
    %get3A_96 = arith.constant 112 : index
    %get3A_97 = tpu.vector_load %arg14[%get3A_95, %get3A_96] {strides = array<i32>} : memref<3x128xf32, #tpu.memory_space<vmem>>, vector<16xf32>,
    %get3A_98 = arith.constant 2 : i32
    %get3A_99 = arith.index_cast %get3A_98 : i32 to index
    %get3A_100 = arith.constant 0 : index
    %get3A_101 = tpu.vector_load %arg14[%get3A_99, %get3A_100] {strides = array<i32>} : memref<3x128xf32, #tpu.memory_space<vmem>>, vector<16xf32>,
    %get3A_102 = arith.constant 2 : i32
    %get3A_103 = arith.index_cast %get3A_102 : i32 to index
    %get3A_104 = arith.constant 16 : index
    %get3A_105 = tpu.vector_load %arg14[%get3A_103, %get3A_104] {strides = array<i32>} : memref<3x128xf32, #tpu.memory_space<vmem>>, vector<16xf32>,
    %get3A_106 = arith.constant 2 : i32
    %get3A_107 = arith.index_cast %get3A_106 : i32 to index
    %get3A_108 = arith.constant 32 : index
    %get3A_109 = tpu.vector_load %arg14[%get3A_107, %get3A_108] {strides = array<i32>} : memref<3x128xf32, #tpu.memory_space<vmem>>, vector<16xf32>,
    %get3A_110 = arith.constant 2 : i32
    %get3A_111 = arith.index_cast %get3A_110 : i32 to index
    %get3A_112 = arith.constant 48 : index
    %get3A_113 = tpu.vector_load %arg14[%get3A_111, %get3A_112] {strides = array<i32>} : memref<3x128xf32, #tpu.memory_space<vmem>>, vector<16xf32>,
    %get3A_114 = arith.constant 2 : i32
    %get3A_115 = arith.index_cast %get3A_114 : i32 to index
    %get3A_116 = arith.constant 64 : index
    %get3A_117 = tpu.vector_load %arg14[%get3A_115, %get3A_116] {strides = array<i32>} : memref<3x128xf32, #tpu.memory_space<vmem>>, vector<16xf32>,
    %get3A_118 = arith.constant 2 : i32
    %get3A_119 = arith.index_cast %get3A_118 : i32 to index
    %get3A_120 = arith.constant 80 : index
    %get3A_121 = tpu.vector_load %arg14[%get3A_119, %get3A_120] {strides = array<i32>} : memref<3x128xf32, #tpu.memory_space<vmem>>, vector<16xf32>,
    %get3A_122 = arith.constant 2 : i32
    %get3A_123 = arith.index_cast %get3A_122 : i32 to index
    %get3A_124 = arith.constant 96 : index
    %get3A_125 = tpu.vector_load %arg14[%get3A_123, %get3A_124] {strides = array<i32>} : memref<3x128xf32, #tpu.memory_space<vmem>>, vector<16xf32>,
    %get3A_126 = arith.constant 2 : i32
    %get3A_127 = arith.index_cast %get3A_126 : i32 to index
    %get3A_128 = arith.constant 112 : index
    %get3A_129 = tpu.vector_load %arg14[%get3A_127, %get3A_128] {strides = array<i32>} : memref<3x128xf32, #tpu.memory_space<vmem>>, vector<16xf32>,
    %mul3A_130 = arith.constant 250 : i32
    %mul3A_131 = arith.muli %add3A, %mul3A_130 : i32
    %add3A_132 = arith.constant 0 : i32
    %add3A_133 = arith.addi %mul3A_131, %add3A_132 : i32
    %mul3A_134 = arith.constant 40 : i32
    %mul3A_135 = arith.muli %add3A_133, %mul3A_134 : i32
    %dma_start3A = arith.constant 0 : i32
    %dma_start3A_136 = arith.constant 0 : i32
    %dma_start3A_137 = arith.constant 0 : i32
    %dma_start3A_138 = arith.constant 0 : i32
    %dma_start3A_139 = tpu.memref_slice %arg12[%dma_start3A, %dma_start3A_137, %dma_start3A_138] : memref<4x2x40xi32, #tpu.memory_space<vmem>> -> memref<1x2x40xi32, #tpu.memory_space<vmem>>
    %dma_start3A_140 = tpu.memref_squeeze %dma_start3A_139 : memref<1x2x40xi32, #tpu.memory_space<vmem>> -> memref<2x40xi32, #tpu.memory_space<vmem>>
    %dma_start3A_141 = arith.constant 0 : i32
    %dma_start3A_142 = tpu.memref_slice %arg4[%dma_start3A_141, %mul3A_135] : memref<2x320000xi32, #tpu.memory_space<hbm>> -> memref<2x40xi32, #tpu.memory_space<hbm>>
    %dma_start3A_143 = tpu.memref_slice %arg20[%dma_start3A_136] : memref<4x!tpu.dma_semaphore, #tpu.memory_space<semaphore_mem>> -> memref<1x!tpu.dma_semaphore, #tpu.memory_space<semaphore_mem>>
    %dma_start3A_144 = tpu.memref_squeeze %dma_start3A_143 : memref<1x!tpu.dma_semaphore, #tpu.memory_space<semaphore_mem>> -> memref<!tpu.dma_semaphore, #tpu.memory_space<semaphore_mem>>
    %dma_start3A_145 = arith.constant 0 : i32
    %dma_start3A_146 = arith.constant 0 : i32
    %dma_start3A_147 = tpu.memref_slice %arg12[%dma_start3A, %dma_start3A_145, %dma_start3A_146] : memref<4x2x40xi32, #tpu.memory_space<vmem>> -> memref<1x2x40xi32, #tpu.memory_space<vmem>>
    %dma_start3A_148 = tpu.memref_squeeze %dma_start3A_147 : memref<1x2x40xi32, #tpu.memory_space<vmem>> -> memref<2x40xi32, #tpu.memory_space<vmem>>
    %dma_start3A_149 = arith.constant 0 : i32
    %dma_start3A_150 = tpu.memref_slice %arg4[%dma_start3A_149, %mul3A_135] : memref<2x320000xi32, #tpu.memory_space<hbm>> -> memref<2x40xi32, #tpu.memory_space<hbm>>
    tpu.enqueue_dma source(%dma_start3A_150 : memref<2x40xi32, #tpu.memory_space<hbm>>) target(%dma_start3A_148 : memref<2x40xi32, #tpu.memory_space<vmem>>) target_semaphore(%dma_start3A_144 : memref<!tpu.dma_semaphore, #tpu.memory_space<semaphore_mem>>)
    %dma_start3A_151 = arith.constant 0 : i32
    %dma_start3A_152 = arith.constant 0 : i32
    %dma_start3A_153 = arith.constant 0 : i32
    %dma_start3A_154 = arith.constant 0 : i32
    %dma_start3A_155 = tpu.memref_slice %arg13[%dma_start3A_151, %dma_start3A_153, %dma_start3A_154] : memref<4x3x40xf32, #tpu.memory_space<vmem>> -> memref<1x3x40xf32, #tpu.memory_space<vmem>>
    %dma_start3A_156 = tpu.memref_squeeze %dma_start3A_155 : memref<1x3x40xf32, #tpu.memory_space<vmem>> -> memref<3x40xf32, #tpu.memory_space<vmem>>
    %dma_start3A_157 = arith.constant 0 : i32
    %dma_start3A_158 = tpu.memref_slice %arg5[%dma_start3A_157, %mul3A_135] : memref<3x320000xf32, #tpu.memory_space<hbm>> -> memref<3x40xf32, #tpu.memory_space<hbm>>
    %dma_start3A_159 = tpu.memref_slice %arg20[%dma_start3A_152] : memref<4x!tpu.dma_semaphore, #tpu.memory_space<semaphore_mem>> -> memref<1x!tpu.dma_semaphore, #tpu.memory_space<semaphore_mem>>
    %dma_start3A_160 = tpu.memref_squeeze %dma_start3A_159 : memref<1x!tpu.dma_semaphore, #tpu.memory_space<semaphore_mem>> -> memref<!tpu.dma_semaphore, #tpu.memory_space<semaphore_mem>>
    %dma_start3A_161 = arith.constant 0 : i32
    %dma_start3A_162 = arith.constant 0 : i32
    %dma_start3A_163 = tpu.memref_slice %arg13[%dma_start3A_151, %dma_start3A_161, %dma_start3A_162] : memref<4x3x40xf32, #tpu.memory_space<vmem>> -> memref<1x3x40xf32, #tpu.memory_space<vmem>>
    %dma_start3A_164 = tpu.memref_squeeze %dma_start3A_163 : memref<1x3x40xf32, #tpu.memory_space<vmem>> -> memref<3x40xf32, #tpu.memory_space<vmem>>
    %dma_start3A_165 = arith.constant 0 : i32
    %dma_start3A_166 = tpu.memref_slice %arg5[%dma_start3A_165, %mul3A_135] : memref<3x320000xf32, #tpu.memory_space<hbm>> -> memref<3x40xf32, #tpu.memory_space<hbm>>
    tpu.enqueue_dma source(%dma_start3A_166 : memref<3x40xf32, #tpu.memory_space<hbm>>) target(%dma_start3A_164 : memref<3x40xf32, #tpu.memory_space<vmem>>) target_semaphore(%dma_start3A_160 : memref<!tpu.dma_semaphore, #tpu.memory_space<semaphore_mem>>)
    %mul3A_167 = arith.constant 250 : i32
    %mul3A_168 = arith.muli %add3A, %mul3A_167 : i32
    %add3A_169 = arith.constant 1 : i32
    %add3A_170 = arith.addi %mul3A_168, %add3A_169 : i32
    %mul3A_171 = arith.constant 40 : i32
    %mul3A_172 = arith.muli %add3A_170, %mul3A_171 : i32
    %dma_start3A_173 = arith.constant 1 : i32
    %dma_start3A_174 = arith.constant 1 : i32
    %dma_start3A_175 = arith.constant 0 : i32
    %dma_start3A_176 = arith.constant 0 : i32
    %dma_start3A_177 = tpu.memref_slice %arg12[%dma_start3A_173, %dma_start3A_175, %dma_start3A_176] : memref<4x2x40xi32, #tpu.memory_space<vmem>> -> memref<1x2x40xi32, #tpu.memory_space<vmem>>
    %dma_start3A_178 = tpu.memref_squeeze %dma_start3A_177 : memref<1x2x40xi32, #tpu.memory_space<vmem>> -> memref<2x40xi32, #tpu.memory_space<vmem>>
    %dma_start3A_179 = arith.constant 0 : i32
    %dma_start3A_180 = tpu.memref_slice %arg4[%dma_start3A_179, %mul3A_172] : memref<2x320000xi32, #tpu.memory_space<hbm>> -> memref<2x40xi32, #tpu.memory_space<hbm>>
    %dma_start3A_181 = tpu.memref_slice %arg20[%dma_start3A_174] : memref<4x!tpu.dma_semaphore, #tpu.memory_space<semaphore_mem>> -> memref<1x!tpu.dma_semaphore, #tpu.memory_space<semaphore_mem>>
    %dma_start3A_182 = tpu.memref_squeeze %dma_start3A_181 : memref<1x!tpu.dma_semaphore, #tpu.memory_space<semaphore_mem>> -> memref<!tpu.dma_semaphore, #tpu.memory_space<semaphore_mem>>
    %dma_start3A_183 = arith.constant 0 : i32
    %dma_start3A_184 = arith.constant 0 : i32
    %dma_start3A_185 = tpu.memref_slice %arg12[%dma_start3A_173, %dma_start3A_183, %dma_start3A_184] : memref<4x2x40xi32, #tpu.memory_space<vmem>> -> memref<1x2x40xi32, #tpu.memory_space<vmem>>
    %dma_start3A_186 = tpu.memref_squeeze %dma_start3A_185 : memref<1x2x40xi32, #tpu.memory_space<vmem>> -> memref<2x40xi32, #tpu.memory_space<vmem>>
    %dma_start3A_187 = arith.constant 0 : i32
    %dma_start3A_188 = tpu.memref_slice %arg4[%dma_start3A_187, %mul3A_172] : memref<2x320000xi32, #tpu.memory_space<hbm>> -> memref<2x40xi32, #tpu.memory_space<hbm>>
    tpu.enqueue_dma source(%dma_start3A_188 : memref<2x40xi32, #tpu.memory_space<hbm>>) target(%dma_start3A_186 : memref<2x40xi32, #tpu.memory_space<vmem>>) target_semaphore(%dma_start3A_182 : memref<!tpu.dma_semaphore, #tpu.memory_space<semaphore_mem>>)
    %dma_start3A_189 = arith.constant 1 : i32
    %dma_start3A_190 = arith.constant 1 : i32
    %dma_start3A_191 = arith.constant 0 : i32
    %dma_start3A_192 = arith.constant 0 : i32
    %dma_start3A_193 = tpu.memref_slice %arg13[%dma_start3A_189, %dma_start3A_191, %dma_start3A_192] : memref<4x3x40xf32, #tpu.memory_space<vmem>> -> memref<1x3x40xf32, #tpu.memory_space<vmem>>
    %dma_start3A_194 = tpu.memref_squeeze %dma_start3A_193 : memref<1x3x40xf32, #tpu.memory_space<vmem>> -> memref<3x40xf32, #tpu.memory_space<vmem>>
    %dma_start3A_195 = arith.constant 0 : i32
    %dma_start3A_196 = tpu.memref_slice %arg5[%dma_start3A_195, %mul3A_172] : memref<3x320000xf32, #tpu.memory_space<hbm>> -> memref<3x40xf32, #tpu.memory_space<hbm>>
    %dma_start3A_197 = tpu.memref_slice %arg20[%dma_start3A_190] : memref<4x!tpu.dma_semaphore, #tpu.memory_space<semaphore_mem>> -> memref<1x!tpu.dma_semaphore, #tpu.memory_space<semaphore_mem>>
    %dma_start3A_198 = tpu.memref_squeeze %dma_start3A_197 : memref<1x!tpu.dma_semaphore, #tpu.memory_space<semaphore_mem>> -> memref<!tpu.dma_semaphore, #tpu.memory_space<semaphore_mem>>
    %dma_start3A_199 = arith.constant 0 : i32
    %dma_start3A_200 = arith.constant 0 : i32
    %dma_start3A_201 = tpu.memref_slice %arg13[%dma_start3A_189, %dma_start3A_199, %dma_start3A_200] : memref<4x3x40xf32, #tpu.memory_space<vmem>> -> memref<1x3x40xf32, #tpu.memory_space<vmem>>
    %dma_start3A_202 = tpu.memref_squeeze %dma_start3A_201 : memref<1x3x40xf32, #tpu.memory_space<vmem>> -> memref<3x40xf32, #tpu.memory_space<vmem>>
    %dma_start3A_203 = arith.constant 0 : i32
    %dma_start3A_204 = tpu.memref_slice %arg5[%dma_start3A_203, %mul3A_172] : memref<3x320000xf32, #tpu.memory_space<hbm>> -> memref<3x40xf32, #tpu.memory_space<hbm>>
    tpu.enqueue_dma source(%dma_start3A_204 : memref<3x40xf32, #tpu.memory_space<hbm>>) target(%dma_start3A_202 : memref<3x40xf32, #tpu.memory_space<vmem>>) target_semaphore(%dma_start3A_198 : memref<!tpu.dma_semaphore, #tpu.memory_space<semaphore_mem>>)
    %mul3A_205 = arith.constant 250 : i32
    %mul3A_206 = arith.muli %add3A, %mul3A_205 : i32
    %add3A_207 = arith.constant 0 : i32
    %add3A_208 = arith.addi %mul3A_206, %add3A_207 : i32
    %mul3A_209 = arith.constant 40 : i32
    %mul3A_210 = arith.muli %add3A_208, %mul3A_209 : i32
    %dma_wait3A = arith.constant 0 : i32
    %dma_wait3A_211 = arith.constant 0 : i32
    %dma_wait3A_212 = arith.constant 0 : i32
    %dma_wait3A_213 = arith.constant 0 : i32
    %dma_wait3A_214 = tpu.memref_slice %arg12[%dma_wait3A, %dma_wait3A_212, %dma_wait3A_213] : memref<4x2x40xi32, #tpu.memory_space<vmem>> -> memref<1x2x40xi32, #tpu.memory_space<vmem>>
    %dma_wait3A_215 = tpu.memref_squeeze %dma_wait3A_214 : memref<1x2x40xi32, #tpu.memory_space<vmem>> -> memref<2x40xi32, #tpu.memory_space<vmem>>
    %dma_wait3A_216 = arith.constant 0 : i32
    %dma_wait3A_217 = tpu.memref_slice %arg4[%dma_wait3A_216, %mul3A_210] : memref<2x320000xi32, #tpu.memory_space<hbm>> -> memref<2x40xi32, #tpu.memory_space<hbm>>
    %dma_wait3A_218 = tpu.memref_slice %arg20[%dma_wait3A_211] : memref<4x!tpu.dma_semaphore, #tpu.memory_space<semaphore_mem>> -> memref<1x!tpu.dma_semaphore, #tpu.memory_space<semaphore_mem>>
    %dma_wait3A_219 = tpu.memref_squeeze %dma_wait3A_218 : memref<1x!tpu.dma_semaphore, #tpu.memory_space<semaphore_mem>> -> memref<!tpu.dma_semaphore, #tpu.memory_space<semaphore_mem>>
    %dma_wait3A_220 = arith.constant 0 : i32
    %dma_wait3A_221 = arith.constant 0 : i32
    %dma_wait3A_222 = tpu.memref_slice %arg12[%dma_wait3A, %dma_wait3A_220, %dma_wait3A_221] : memref<4x2x40xi32, #tpu.memory_space<vmem>> -> memref<1x2x40xi32, #tpu.memory_space<vmem>>
    %dma_wait3A_223 = tpu.memref_squeeze %dma_wait3A_222 : memref<1x2x40xi32, #tpu.memory_space<vmem>> -> memref<2x40xi32, #tpu.memory_space<vmem>>
    %dma_wait3A_224 = arith.constant 0 : i32
    %dma_wait3A_225 = tpu.memref_slice %arg4[%dma_wait3A_224, %mul3A_210] : memref<2x320000xi32, #tpu.memory_space<hbm>> -> memref<2x40xi32, #tpu.memory_space<hbm>>
    tpu.wait_dma2 semaphore(%dma_wait3A_219 : memref<!tpu.dma_semaphore, #tpu.memory_space<semaphore_mem>>) src(%dma_wait3A_225 : memref<2x40xi32, #tpu.memory_space<hbm>>) dst(%dma_wait3A_223 : memref<2x40xi32, #tpu.memory_space<vmem>>)
    %dma_wait3A_226 = arith.constant 0 : i32
    %dma_wait3A_227 = arith.constant 0 : i32
    %dma_wait3A_228 = arith.constant 0 : i32
    %dma_wait3A_229 = arith.constant 0 : i32
    %dma_wait3A_230 = tpu.memref_slice %arg13[%dma_wait3A_226, %dma_wait3A_228, %dma_wait3A_229] : memref<4x3x40xf32, #tpu.memory_space<vmem>> -> memref<1x3x40xf32, #tpu.memory_space<vmem>>
    %dma_wait3A_231 = tpu.memref_squeeze %dma_wait3A_230 : memref<1x3x40xf32, #tpu.memory_space<vmem>> -> memref<3x40xf32, #tpu.memory_space<vmem>>
    %dma_wait3A_232 = arith.constant 0 : i32
    %dma_wait3A_233 = tpu.memref_slice %arg5[%dma_wait3A_232, %mul3A_210] : memref<3x320000xf32, #tpu.memory_space<hbm>> -> memref<3x40xf32, #tpu.memory_space<hbm>>
    %dma_wait3A_234 = tpu.memref_slice %arg20[%dma_wait3A_227] : memref<4x!tpu.dma_semaphore, #tpu.memory_space<semaphore_mem>> -> memref<1x!tpu.dma_semaphore, #tpu.memory_space<semaphore_mem>>
    %dma_wait3A_235 = tpu.memref_squeeze %dma_wait3A_234 : memref<1x!tpu.dma_semaphore, #tpu.memory_space<semaphore_mem>> -> memref<!tpu.dma_semaphore, #tpu.memory_space<semaphore_mem>>
    %dma_wait3A_236 = arith.constant 0 : i32
    %dma_wait3A_237 = arith.constant 0 : i32
    %dma_wait3A_238 = tpu.memref_slice %arg13[%dma_wait3A_226, %dma_wait3A_236, %dma_wait3A_237] : memref<4x3x40xf32, #tpu.memory_space<vmem>> -> memref<1x3x40xf32, #tpu.memory_space<vmem>>
    %dma_wait3A_239 = tpu.memref_squeeze %dma_wait3A_238 : memref<1x3x40xf32, #tpu.memory_space<vmem>> -> memref<3x40xf32, #tpu.memory_space<vmem>>
    %dma_wait3A_240 = arith.constant 0 : i32
    %dma_wait3A_241 = tpu.memref_slice %arg5[%dma_wait3A_240, %mul3A_210] : memref<3x320000xf32, #tpu.memory_space<hbm>> -> memref<3x40xf32, #tpu.memory_space<hbm>>
    tpu.wait_dma2 semaphore(%dma_wait3A_235 : memref<!tpu.dma_semaphore, #tpu.memory_space<semaphore_mem>>) src(%dma_wait3A_241 : memref<3x40xf32, #tpu.memory_space<hbm>>) dst(%dma_wait3A_239 : memref<3x40xf32, #tpu.memory_space<vmem>>)
    %dma_start3A_242 = arith.constant 0 : i32
    %dma_start3A_243 = arith.constant 1 : i32
    %dma_start3A_244 = arith.constant 0 : i32
    %dma_start3A_245 = arith.constant 0 : i32
    %dma_start3A_246 = arith.constant 0 : i32
    %dma_start3A_247 = arith.constant 0 : i32
    %dma_start3A_248 = tpu.memref_slice %arg15[%dma_start3A_244, %dma_start3A_246, %dma_start3A_247] : memref<3x40x128xf32, #tpu.memory_space<vmem>> -> memref<1x40x128xf32, #tpu.memory_space<vmem>>
    %dma_start3A_249 = tpu.memref_squeeze %dma_start3A_248 : memref<1x40x128xf32, #tpu.memory_space<vmem>> -> memref<40x128xf32, #tpu.memory_space<vmem>>
    %dma_start3A_250 = arith.constant 0 : i32
    %dma_start3A_251 = tpu.memref_slice %arg12[%dma_start3A_242, %dma_start3A_243, %dma_start3A_250] : memref<4x2x40xi32, #tpu.memory_space<vmem>> -> memref<1x1x40xi32, #tpu.memory_space<vmem>>
    %dma_start3A_252 = tpu.memref_squeeze %dma_start3A_251 : memref<1x1x40xi32, #tpu.memory_space<vmem>> -> memref<40xi32, #tpu.memory_space<vmem>>
    %dma_start3A_253 = arith.constant 0 : i32
    %dma_start3A_254 = arith.constant 0 : i32
    %dma_start3A_255 = tpu.memref_slice %arg2[%dma_start3A_253, %dma_start3A_254] : memref<10000x128xf32, #tpu.memory_space<hbm>> -> memref<10000x128xf32, #tpu.memory_space<hbm>>
    %dma_start3A_256 = tpu.memref_slice %arg21[%dma_start3A_245] : memref<3x!tpu.dma_semaphore, #tpu.memory_space<semaphore_mem>> -> memref<1x!tpu.dma_semaphore, #tpu.memory_space<semaphore_mem>>
    %dma_start3A_257 = tpu.memref_squeeze %dma_start3A_256 : memref<1x!tpu.dma_semaphore, #tpu.memory_space<semaphore_mem>> -> memref<!tpu.dma_semaphore, #tpu.memory_space<semaphore_mem>>
    tpu.enqueue_indirect_dma source(%dma_start3A_255 : memref<10000x128xf32, #tpu.memory_space<hbm>>) target(%dma_start3A_249 : memref<40x128xf32, #tpu.memory_space<vmem>>) offsets(%dma_start3A_252 : memref<40xi32, #tpu.memory_space<vmem>>) semaphore(%dma_start3A_257 : memref<!tpu.dma_semaphore, #tpu.memory_space<semaphore_mem>>)
    %dma_start3A_258 = arith.constant 0 : i32
    %dma_start3A_259 = arith.constant 0 : i32
    %dma_start3A_260 = arith.constant 0 : i32
    %dma_start3A_261 = arith.constant 0 : i32
    %dma_start3A_262 = arith.constant 0 : i32
    %dma_start3A_263 = arith.constant 0 : i32
    %dma_start3A_264 = tpu.memref_slice %arg16[%dma_start3A_260, %dma_start3A_262, %dma_start3A_263] : memref<3x40x128xf32, #tpu.memory_space<vmem>> -> memref<1x40x128xf32, #tpu.memory_space<vmem>>
    %dma_start3A_265 = tpu.memref_squeeze %dma_start3A_264 : memref<1x40x128xf32, #tpu.memory_space<vmem>> -> memref<40x128xf32, #tpu.memory_space<vmem>>
    %dma_start3A_266 = arith.constant 0 : i32
    %dma_start3A_267 = tpu.memref_slice %arg12[%dma_start3A_258, %dma_start3A_259, %dma_start3A_266] : memref<4x2x40xi32, #tpu.memory_space<vmem>> -> memref<1x1x40xi32, #tpu.memory_space<vmem>>
    %dma_start3A_268 = tpu.memref_squeeze %dma_start3A_267 : memref<1x1x40xi32, #tpu.memory_space<vmem>> -> memref<40xi32, #tpu.memory_space<vmem>>
    %dma_start3A_269 = arith.constant 0 : i32
    %dma_start3A_270 = arith.constant 0 : i32
    %dma_start3A_271 = tpu.memref_slice %arg3[%dma_start3A_269, %dma_start3A_270] : memref<10000x128xf32, #tpu.memory_space<hbm>> -> memref<10000x128xf32, #tpu.memory_space<hbm>>
    %dma_start3A_272 = tpu.memref_slice %arg21[%dma_start3A_261] : memref<3x!tpu.dma_semaphore, #tpu.memory_space<semaphore_mem>> -> memref<1x!tpu.dma_semaphore, #tpu.memory_space<semaphore_mem>>
    %dma_start3A_273 = tpu.memref_squeeze %dma_start3A_272 : memref<1x!tpu.dma_semaphore, #tpu.memory_space<semaphore_mem>> -> memref<!tpu.dma_semaphore, #tpu.memory_space<semaphore_mem>>
    tpu.enqueue_indirect_dma source(%dma_start3A_271 : memref<10000x128xf32, #tpu.memory_space<hbm>>) target(%dma_start3A_265 : memref<40x128xf32, #tpu.memory_space<vmem>>) offsets(%dma_start3A_268 : memref<40xi32, #tpu.memory_space<vmem>>) semaphore(%dma_start3A_273 : memref<!tpu.dma_semaphore, #tpu.memory_space<semaphore_mem>>)
    %scan3A = arith.constant 0 : i32
    %scan3A_274 = arith.constant 0 : i32
    %scan3A_275 = arith.constant 250 : i32
    %scan3A_276 = arith.addi %scan3A_274, %scan3A_275 : i32
    %scan3A_277 = arith.constant 1 : i32
    scf.for %scan3A_334 = %scan3A_274 to %scan3A_276 step %scan3A_277  : i32 {
      %rem3A = arith.constant 3 : i32
      %rem3A_335 = arith.remsi %scan3A_334, %rem3A : i32
      %rem3A_336 = arith.constant 4 : i32
      %rem3A_337 = arith.remsi %scan3A_334, %rem3A_336 : i32
      %ge3A = arith.constant 2 : i32
      %ge3A_338 = arith.cmpi sge, %scan3A_334, %ge3A : i32
      %convert_element_type3A = arith.extui %ge3A_338 : i1 to i32
      %cond3A = arith.constant 0 : i32
      %cond3A_339 = arith.cmpi ne, %convert_element_type3A, %cond3A : i32
      scf.if %cond3A_339 {
        %sub3A = arith.constant 2 : i32
        %sub3A_403 = arith.subi %scan3A_334, %sub3A : i32
        %rem3A_404 = arith.constant 4 : i32
        %rem3A_405 = arith.remsi %sub3A_403, %rem3A_404 : i32
        %sub3A_406 = arith.constant 2 : i32
        %sub3A_407 = arith.subi %scan3A_334, %sub3A_406 : i32
        %rem3A_408 = arith.constant 3 : i32
        %rem3A_409 = arith.remsi %sub3A_407, %rem3A_408 : i32
        %dma_wait3A_410 = arith.constant 1 : i32
        %dma_wait3A_411 = arith.constant 0 : i32
        %dma_wait3A_412 = arith.constant 0 : i32
        %dma_wait3A_413 = tpu.memref_slice %arg15[%rem3A_409, %dma_wait3A_411, %dma_wait3A_412] : memref<3x40x128xf32, #tpu.memory_space<vmem>> -> memref<1x40x128xf32, #tpu.memory_space<vmem>>
        %dma_wait3A_414 = tpu.memref_squeeze %dma_wait3A_413 : memref<1x40x128xf32, #tpu.memory_space<vmem>> -> memref<40x128xf32, #tpu.memory_space<vmem>>
        %dma_wait3A_415 = arith.constant 0 : i32
        %dma_wait3A_416 = tpu.memref_slice %arg12[%rem3A_405, %dma_wait3A_410, %dma_wait3A_415] : memref<4x2x40xi32, #tpu.memory_space<vmem>> -> memref<1x1x40xi32, #tpu.memory_space<vmem>>
        %dma_wait3A_417 = tpu.memref_squeeze %dma_wait3A_416 : memref<1x1x40xi32, #tpu.memory_space<vmem>> -> memref<40xi32, #tpu.memory_space<vmem>>
        %dma_wait3A_418 = arith.constant 0 : i32
        %dma_wait3A_419 = arith.constant 0 : i32
        %dma_wait3A_420 = tpu.memref_slice %arg18[%dma_wait3A_418, %dma_wait3A_419] : memref<10000x128xf32, #tpu.memory_space<vmem_shared>> -> memref<10000x128xf32, #tpu.memory_space<vmem_shared>>
        %dma_wait3A_421 = tpu.memref_slice %arg22[%rem3A_409] : memref<3x!tpu.dma_semaphore, #tpu.memory_space<semaphore_mem>> -> memref<1x!tpu.dma_semaphore, #tpu.memory_space<semaphore_mem>>
        %dma_wait3A_422 = tpu.memref_squeeze %dma_wait3A_421 : memref<1x!tpu.dma_semaphore, #tpu.memory_space<semaphore_mem>> -> memref<!tpu.dma_semaphore, #tpu.memory_space<semaphore_mem>>
        tpu.wait_indirect_dma semaphore(%dma_wait3A_422 : memref<!tpu.dma_semaphore, #tpu.memory_space<semaphore_mem>>) src(%dma_wait3A_414 : memref<40x128xf32, #tpu.memory_space<vmem>>) dst(%dma_wait3A_420 : memref<10000x128xf32, #tpu.memory_space<vmem_shared>>)
        %dma_wait3A_423 = arith.constant 1 : i32
        %dma_wait3A_424 = arith.constant 0 : i32
        %dma_wait3A_425 = tpu.memref_slice %arg12[%rem3A_405, %dma_wait3A_423, %dma_wait3A_424] : memref<4x2x40xi32, #tpu.memory_space<vmem>> -> memref<1x1x40xi32, #tpu.memory_space<vmem>>
        %dma_wait3A_426 = tpu.memref_squeeze %dma_wait3A_425 : memref<1x1x40xi32, #tpu.memory_space<vmem>> -> memref<40xi32, #tpu.memory_space<vmem>>
        %dma_wait3A_427 = arith.constant 0 : i32
        %dma_wait3A_428 = arith.constant 0 : i32
        %dma_wait3A_429 = tpu.memref_slice %arg19[%dma_wait3A_427, %dma_wait3A_428] : memref<10000x16xf32, #tpu.memory_space<vmem_shared>> -> memref<10000x16xf32, #tpu.memory_space<vmem_shared>>
        %dma_wait3A_430 = tpu.memref_slice %arg22[%rem3A_409] : memref<3x!tpu.dma_semaphore, #tpu.memory_space<semaphore_mem>> -> memref<1x!tpu.dma_semaphore, #tpu.memory_space<semaphore_mem>>
        %dma_wait3A_431 = tpu.memref_squeeze %dma_wait3A_430 : memref<1x!tpu.dma_semaphore, #tpu.memory_space<semaphore_mem>> -> memref<!tpu.dma_semaphore, #tpu.memory_space<semaphore_mem>>
        tpu.wait_indirect_dma semaphore(%dma_wait3A_431 : memref<!tpu.dma_semaphore, #tpu.memory_space<semaphore_mem>>) src(%arg17 : memref<40x16xf32, #tpu.memory_space<vmem>>) dst(%dma_wait3A_429 : memref<10000x16xf32, #tpu.memory_space<vmem_shared>>)
      } else {
      }
      %add3A_340 = arith.constant 2 : i32
      %add3A_341 = arith.addi %scan3A_334, %add3A_340 : i32
      %lt3A = arith.constant 250 : i32
      %lt3A_342 = arith.cmpi slt, %add3A_341, %lt3A : i32
      %convert_element_type3A_343 = arith.extui %lt3A_342 : i1 to i32
      %cond3A_344 = arith.constant 0 : i32
      %cond3A_345 = arith.cmpi ne, %convert_element_type3A_343, %cond3A_344 : i32
      scf.if %cond3A_345 {
        %add3A_403 = arith.constant 2 : i32
        %add3A_404 = arith.addi %scan3A_334, %add3A_403 : i32
        %add3A_405 = arith.constant 2 : i32
        %add3A_406 = arith.addi %scan3A_334, %add3A_405 : i32
        %rem3A_407 = arith.constant 4 : i32
        %rem3A_408 = arith.remsi %add3A_406, %rem3A_407 : i32
        %mul3A_409 = arith.constant 250 : i32
        %mul3A_410 = arith.muli %add3A, %mul3A_409 : i32
        %add3A_411 = arith.addi %mul3A_410, %add3A_404 : i32
        %mul3A_412 = arith.constant 40 : i32
        %mul3A_413 = arith.muli %add3A_411, %mul3A_412 : i32
        %dma_start3A_414 = arith.constant 0 : i32
        %dma_start3A_415 = arith.constant 0 : i32
        %dma_start3A_416 = tpu.memref_slice %arg12[%rem3A_408, %dma_start3A_414, %dma_start3A_415] : memref<4x2x40xi32, #tpu.memory_space<vmem>> -> memref<1x2x40xi32, #tpu.memory_space<vmem>>
        %dma_start3A_417 = tpu.memref_squeeze %dma_start3A_416 : memref<1x2x40xi32, #tpu.memory_space<vmem>> -> memref<2x40xi32, #tpu.memory_space<vmem>>
        %dma_start3A_418 = arith.constant 0 : i32
        %dma_start3A_419 = tpu.memref_slice %arg4[%dma_start3A_418, %mul3A_413] : memref<2x320000xi32, #tpu.memory_space<hbm>> -> memref<2x40xi32, #tpu.memory_space<hbm>>
        %dma_start3A_420 = tpu.memref_slice %arg20[%rem3A_408] : memref<4x!tpu.dma_semaphore, #tpu.memory_space<semaphore_mem>> -> memref<1x!tpu.dma_semaphore, #tpu.memory_space<semaphore_mem>>
        %dma_start3A_421 = tpu.memref_squeeze %dma_start3A_420 : memref<1x!tpu.dma_semaphore, #tpu.memory_space<semaphore_mem>> -> memref<!tpu.dma_semaphore, #tpu.memory_space<semaphore_mem>>
        %dma_start3A_422 = arith.constant 0 : i32
        %dma_start3A_423 = arith.constant 0 : i32
        %dma_start3A_424 = tpu.memref_slice %arg12[%rem3A_408, %dma_start3A_422, %dma_start3A_423] : memref<4x2x40xi32, #tpu.memory_space<vmem>> -> memref<1x2x40xi32, #tpu.memory_space<vmem>>
        %dma_start3A_425 = tpu.memref_squeeze %dma_start3A_424 : memref<1x2x40xi32, #tpu.memory_space<vmem>> -> memref<2x40xi32, #tpu.memory_space<vmem>>
        %dma_start3A_426 = arith.constant 0 : i32
        %dma_start3A_427 = tpu.memref_slice %arg4[%dma_start3A_426, %mul3A_413] : memref<2x320000xi32, #tpu.memory_space<hbm>> -> memref<2x40xi32, #tpu.memory_space<hbm>>
        tpu.enqueue_dma source(%dma_start3A_427 : memref<2x40xi32, #tpu.memory_space<hbm>>) target(%dma_start3A_425 : memref<2x40xi32, #tpu.memory_space<vmem>>) target_semaphore(%dma_start3A_421 : memref<!tpu.dma_semaphore, #tpu.memory_space<semaphore_mem>>)
        %dma_start3A_428 = arith.constant 0 : i32
        %dma_start3A_429 = arith.constant 0 : i32
        %dma_start3A_430 = tpu.memref_slice %arg13[%rem3A_408, %dma_start3A_428, %dma_start3A_429] : memref<4x3x40xf32, #tpu.memory_space<vmem>> -> memref<1x3x40xf32, #tpu.memory_space<vmem>>
        %dma_start3A_431 = tpu.memref_squeeze %dma_start3A_430 : memref<1x3x40xf32, #tpu.memory_space<vmem>> -> memref<3x40xf32, #tpu.memory_space<vmem>>
        %dma_start3A_432 = arith.constant 0 : i32
        %dma_start3A_433 = tpu.memref_slice %arg5[%dma_start3A_432, %mul3A_413] : memref<3x320000xf32, #tpu.memory_space<hbm>> -> memref<3x40xf32, #tpu.memory_space<hbm>>
        %dma_start3A_434 = tpu.memref_slice %arg20[%rem3A_408] : memref<4x!tpu.dma_semaphore, #tpu.memory_space<semaphore_mem>> -> memref<1x!tpu.dma_semaphore, #tpu.memory_space<semaphore_mem>>
        %dma_start3A_435 = tpu.memref_squeeze %dma_start3A_434 : memref<1x!tpu.dma_semaphore, #tpu.memory_space<semaphore_mem>> -> memref<!tpu.dma_semaphore, #tpu.memory_space<semaphore_mem>>
        %dma_start3A_436 = arith.constant 0 : i32
        %dma_start3A_437 = arith.constant 0 : i32
        %dma_start3A_438 = tpu.memref_slice %arg13[%rem3A_408, %dma_start3A_436, %dma_start3A_437] : memref<4x3x40xf32, #tpu.memory_space<vmem>> -> memref<1x3x40xf32, #tpu.memory_space<vmem>>
        %dma_start3A_439 = tpu.memref_squeeze %dma_start3A_438 : memref<1x3x40xf32, #tpu.memory_space<vmem>> -> memref<3x40xf32, #tpu.memory_space<vmem>>
        %dma_start3A_440 = arith.constant 0 : i32
        %dma_start3A_441 = tpu.memref_slice %arg5[%dma_start3A_440, %mul3A_413] : memref<3x320000xf32, #tpu.memory_space<hbm>> -> memref<3x40xf32, #tpu.memory_space<hbm>>
        tpu.enqueue_dma source(%dma_start3A_441 : memref<3x40xf32, #tpu.memory_space<hbm>>) target(%dma_start3A_439 : memref<3x40xf32, #tpu.memory_space<vmem>>) target_semaphore(%dma_start3A_435 : memref<!tpu.dma_semaphore, #tpu.memory_space<semaphore_mem>>)
      } else {
      }
      %add3A_346 = arith.constant 1 : i32
      %add3A_347 = arith.addi %scan3A_334, %add3A_346 : i32
      %lt3A_348 = arith.constant 250 : i32
      %lt3A_349 = arith.cmpi slt, %add3A_347, %lt3A_348 : i32
      %convert_element_type3A_350 = arith.extui %lt3A_349 : i1 to i32
      %cond3A_351 = arith.constant 0 : i32
      %cond3A_352 = arith.cmpi ne, %convert_element_type3A_350, %cond3A_351 : i32
      scf.if %cond3A_352 {
        %add3A_403 = arith.constant 1 : i32
        %add3A_404 = arith.addi %scan3A_334, %add3A_403 : i32
        %rem3A_405 = arith.constant 4 : i32
        %rem3A_406 = arith.remsi %add3A_404, %rem3A_405 : i32
        %add3A_407 = arith.constant 1 : i32
        %add3A_408 = arith.addi %scan3A_334, %add3A_407 : i32
        %mul3A_409 = arith.constant 250 : i32
        %mul3A_410 = arith.muli %add3A, %mul3A_409 : i32
        %add3A_411 = arith.addi %mul3A_410, %add3A_408 : i32
        %mul3A_412 = arith.constant 40 : i32
        %mul3A_413 = arith.muli %add3A_411, %mul3A_412 : i32
        %dma_wait3A_414 = arith.constant 0 : i32
        %dma_wait3A_415 = arith.constant 0 : i32
        %dma_wait3A_416 = tpu.memref_slice %arg12[%rem3A_406, %dma_wait3A_414, %dma_wait3A_415] : memref<4x2x40xi32, #tpu.memory_space<vmem>> -> memref<1x2x40xi32, #tpu.memory_space<vmem>>
        %dma_wait3A_417 = tpu.memref_squeeze %dma_wait3A_416 : memref<1x2x40xi32, #tpu.memory_space<vmem>> -> memref<2x40xi32, #tpu.memory_space<vmem>>
        %dma_wait3A_418 = arith.constant 0 : i32
        %dma_wait3A_419 = tpu.memref_slice %arg4[%dma_wait3A_418, %mul3A_413] : memref<2x320000xi32, #tpu.memory_space<hbm>> -> memref<2x40xi32, #tpu.memory_space<hbm>>
        %dma_wait3A_420 = tpu.memref_slice %arg20[%rem3A_406] : memref<4x!tpu.dma_semaphore, #tpu.memory_space<semaphore_mem>> -> memref<1x!tpu.dma_semaphore, #tpu.memory_space<semaphore_mem>>
        %dma_wait3A_421 = tpu.memref_squeeze %dma_wait3A_420 : memref<1x!tpu.dma_semaphore, #tpu.memory_space<semaphore_mem>> -> memref<!tpu.dma_semaphore, #tpu.memory_space<semaphore_mem>>
        %dma_wait3A_422 = arith.constant 0 : i32
        %dma_wait3A_423 = arith.constant 0 : i32
        %dma_wait3A_424 = tpu.memref_slice %arg12[%rem3A_406, %dma_wait3A_422, %dma_wait3A_423] : memref<4x2x40xi32, #tpu.memory_space<vmem>> -> memref<1x2x40xi32, #tpu.memory_space<vmem>>
        %dma_wait3A_425 = tpu.memref_squeeze %dma_wait3A_424 : memref<1x2x40xi32, #tpu.memory_space<vmem>> -> memref<2x40xi32, #tpu.memory_space<vmem>>
        %dma_wait3A_426 = arith.constant 0 : i32
        %dma_wait3A_427 = tpu.memref_slice %arg4[%dma_wait3A_426, %mul3A_413] : memref<2x320000xi32, #tpu.memory_space<hbm>> -> memref<2x40xi32, #tpu.memory_space<hbm>>
        tpu.wait_dma2 semaphore(%dma_wait3A_421 : memref<!tpu.dma_semaphore, #tpu.memory_space<semaphore_mem>>) src(%dma_wait3A_427 : memref<2x40xi32, #tpu.memory_space<hbm>>) dst(%dma_wait3A_425 : memref<2x40xi32, #tpu.memory_space<vmem>>)
        %dma_wait3A_428 = arith.constant 0 : i32
        %dma_wait3A_429 = arith.constant 0 : i32
        %dma_wait3A_430 = tpu.memref_slice %arg13[%rem3A_406, %dma_wait3A_428, %dma_wait3A_429] : memref<4x3x40xf32, #tpu.memory_space<vmem>> -> memref<1x3x40xf32, #tpu.memory_space<vmem>>
        %dma_wait3A_431 = tpu.memref_squeeze %dma_wait3A_430 : memref<1x3x40xf32, #tpu.memory_space<vmem>> -> memref<3x40xf32, #tpu.memory_space<vmem>>
        %dma_wait3A_432 = arith.constant 0 : i32
        %dma_wait3A_433 = tpu.memref_slice %arg5[%dma_wait3A_432, %mul3A_413] : memref<3x320000xf32, #tpu.memory_space<hbm>> -> memref<3x40xf32, #tpu.memory_space<hbm>>
        %dma_wait3A_434 = tpu.memref_slice %arg20[%rem3A_406] : memref<4x!tpu.dma_semaphore, #tpu.memory_space<semaphore_mem>> -> memref<1x!tpu.dma_semaphore, #tpu.memory_space<semaphore_mem>>
        %dma_wait3A_435 = tpu.memref_squeeze %dma_wait3A_434 : memref<1x!tpu.dma_semaphore, #tpu.memory_space<semaphore_mem>> -> memref<!tpu.dma_semaphore, #tpu.memory_space<semaphore_mem>>
        %dma_wait3A_436 = arith.constant 0 : i32
        %dma_wait3A_437 = arith.constant 0 : i32
        %dma_wait3A_438 = tpu.memref_slice %arg13[%rem3A_406, %dma_wait3A_436, %dma_wait3A_437] : memref<4x3x40xf32, #tpu.memory_space<vmem>> -> memref<1x3x40xf32, #tpu.memory_space<vmem>>
        %dma_wait3A_439 = tpu.memref_squeeze %dma_wait3A_438 : memref<1x3x40xf32, #tpu.memory_space<vmem>> -> memref<3x40xf32, #tpu.memory_space<vmem>>
        %dma_wait3A_440 = arith.constant 0 : i32
        %dma_wait3A_441 = tpu.memref_slice %arg5[%dma_wait3A_440, %mul3A_413] : memref<3x320000xf32, #tpu.memory_space<hbm>> -> memref<3x40xf32, #tpu.memory_space<hbm>>
        tpu.wait_dma2 semaphore(%dma_wait3A_435 : memref<!tpu.dma_semaphore, #tpu.memory_space<semaphore_mem>>) src(%dma_wait3A_441 : memref<3x40xf32, #tpu.memory_space<hbm>>) dst(%dma_wait3A_439 : memref<3x40xf32, #tpu.memory_space<vmem>>)
        %add3A_442 = arith.constant 1 : i32
        %add3A_443 = arith.addi %scan3A_334, %add3A_442 : i32
        %rem3A_444 = arith.constant 3 : i32
        %rem3A_445 = arith.remsi %add3A_443, %rem3A_444 : i32
        %dma_start3A_446 = arith.constant 1 : i32
        %dma_start3A_447 = arith.constant 0 : i32
        %dma_start3A_448 = arith.constant 0 : i32
        %dma_start3A_449 = tpu.memref_slice %arg15[%rem3A_445, %dma_start3A_447, %dma_start3A_448] : memref<3x40x128xf32, #tpu.memory_space<vmem>> -> memref<1x40x128xf32, #tpu.memory_space<vmem>>
        %dma_start3A_450 = tpu.memref_squeeze %dma_start3A_449 : memref<1x40x128xf32, #tpu.memory_space<vmem>> -> memref<40x128xf32, #tpu.memory_space<vmem>>
        %dma_start3A_451 = arith.constant 0 : i32
        %dma_start3A_452 = tpu.memref_slice %arg12[%rem3A_406, %dma_start3A_446, %dma_start3A_451] : memref<4x2x40xi32, #tpu.memory_space<vmem>> -> memref<1x1x40xi32, #tpu.memory_space<vmem>>
        %dma_start3A_453 = tpu.memref_squeeze %dma_start3A_452 : memref<1x1x40xi32, #tpu.memory_space<vmem>> -> memref<40xi32, #tpu.memory_space<vmem>>
        %dma_start3A_454 = arith.constant 0 : i32
        %dma_start3A_455 = arith.constant 0 : i32
        %dma_start3A_456 = tpu.memref_slice %arg2[%dma_start3A_454, %dma_start3A_455] : memref<10000x128xf32, #tpu.memory_space<hbm>> -> memref<10000x128xf32, #tpu.memory_space<hbm>>
        %dma_start3A_457 = tpu.memref_slice %arg21[%rem3A_445] : memref<3x!tpu.dma_semaphore, #tpu.memory_space<semaphore_mem>> -> memref<1x!tpu.dma_semaphore, #tpu.memory_space<semaphore_mem>>
        %dma_start3A_458 = tpu.memref_squeeze %dma_start3A_457 : memref<1x!tpu.dma_semaphore, #tpu.memory_space<semaphore_mem>> -> memref<!tpu.dma_semaphore, #tpu.memory_space<semaphore_mem>>
        tpu.enqueue_indirect_dma source(%dma_start3A_456 : memref<10000x128xf32, #tpu.memory_space<hbm>>) target(%dma_start3A_450 : memref<40x128xf32, #tpu.memory_space<vmem>>) offsets(%dma_start3A_453 : memref<40xi32, #tpu.memory_space<vmem>>) semaphore(%dma_start3A_458 : memref<!tpu.dma_semaphore, #tpu.memory_space<semaphore_mem>>)
        %dma_start3A_459 = arith.constant 0 : i32
        %dma_start3A_460 = arith.constant 0 : i32
        %dma_start3A_461 = arith.constant 0 : i32
        %dma_start3A_462 = tpu.memref_slice %arg16[%rem3A_445, %dma_start3A_460, %dma_start3A_461] : memref<3x40x128xf32, #tpu.memory_space<vmem>> -> memref<1x40x128xf32, #tpu.memory_space<vmem>>
        %dma_start3A_463 = tpu.memref_squeeze %dma_start3A_462 : memref<1x40x128xf32, #tpu.memory_space<vmem>> -> memref<40x128xf32, #tpu.memory_space<vmem>>
        %dma_start3A_464 = arith.constant 0 : i32
        %dma_start3A_465 = tpu.memref_slice %arg12[%rem3A_406, %dma_start3A_459, %dma_start3A_464] : memref<4x2x40xi32, #tpu.memory_space<vmem>> -> memref<1x1x40xi32, #tpu.memory_space<vmem>>
        %dma_start3A_466 = tpu.memref_squeeze %dma_start3A_465 : memref<1x1x40xi32, #tpu.memory_space<vmem>> -> memref<40xi32, #tpu.memory_space<vmem>>
        %dma_start3A_467 = arith.constant 0 : i32
        %dma_start3A_468 = arith.constant 0 : i32
        %dma_start3A_469 = tpu.memref_slice %arg3[%dma_start3A_467, %dma_start3A_468] : memref<10000x128xf32, #tpu.memory_space<hbm>> -> memref<10000x128xf32, #tpu.memory_space<hbm>>
        %dma_start3A_470 = tpu.memref_slice %arg21[%rem3A_445] : memref<3x!tpu.dma_semaphore, #tpu.memory_space<semaphore_mem>> -> memref<1x!tpu.dma_semaphore, #tpu.memory_space<semaphore_mem>>
        %dma_start3A_471 = tpu.memref_squeeze %dma_start3A_470 : memref<1x!tpu.dma_semaphore, #tpu.memory_space<semaphore_mem>> -> memref<!tpu.dma_semaphore, #tpu.memory_space<semaphore_mem>>
        tpu.enqueue_indirect_dma source(%dma_start3A_469 : memref<10000x128xf32, #tpu.memory_space<hbm>>) target(%dma_start3A_463 : memref<40x128xf32, #tpu.memory_space<vmem>>) offsets(%dma_start3A_466 : memref<40xi32, #tpu.memory_space<vmem>>) semaphore(%dma_start3A_471 : memref<!tpu.dma_semaphore, #tpu.memory_space<semaphore_mem>>)
      } else {
      }
      %dma_wait3A_353 = arith.constant 1 : i32
      %dma_wait3A_354 = arith.constant 0 : i32
      %dma_wait3A_355 = arith.constant 0 : i32
      %dma_wait3A_356 = tpu.memref_slice %arg15[%rem3A_335, %dma_wait3A_354, %dma_wait3A_355] : memref<3x40x128xf32, #tpu.memory_space<vmem>> -> memref<1x40x128xf32, #tpu.memory_space<vmem>>
      %dma_wait3A_357 = tpu.memref_squeeze %dma_wait3A_356 : memref<1x40x128xf32, #tpu.memory_space<vmem>> -> memref<40x128xf32, #tpu.memory_space<vmem>>
      %dma_wait3A_358 = arith.constant 0 : i32
      %dma_wait3A_359 = tpu.memref_slice %arg12[%rem3A_337, %dma_wait3A_353, %dma_wait3A_358] : memref<4x2x40xi32, #tpu.memory_space<vmem>> -> memref<1x1x40xi32, #tpu.memory_space<vmem>>
      %dma_wait3A_360 = tpu.memref_squeeze %dma_wait3A_359 : memref<1x1x40xi32, #tpu.memory_space<vmem>> -> memref<40xi32, #tpu.memory_space<vmem>>
      %dma_wait3A_361 = arith.constant 0 : i32
      %dma_wait3A_362 = arith.constant 0 : i32
      %dma_wait3A_363 = tpu.memref_slice %arg2[%dma_wait3A_361, %dma_wait3A_362] : memref<10000x128xf32, #tpu.memory_space<hbm>> -> memref<10000x128xf32, #tpu.memory_space<hbm>>
      %dma_wait3A_364 = tpu.memref_slice %arg21[%rem3A_335] : memref<3x!tpu.dma_semaphore, #tpu.memory_space<semaphore_mem>> -> memref<1x!tpu.dma_semaphore, #tpu.memory_space<semaphore_mem>>
      %dma_wait3A_365 = tpu.memref_squeeze %dma_wait3A_364 : memref<1x!tpu.dma_semaphore, #tpu.memory_space<semaphore_mem>> -> memref<!tpu.dma_semaphore, #tpu.memory_space<semaphore_mem>>
      tpu.wait_indirect_dma semaphore(%dma_wait3A_365 : memref<!tpu.dma_semaphore, #tpu.memory_space<semaphore_mem>>) src(%dma_wait3A_363 : memref<10000x128xf32, #tpu.memory_space<hbm>>) dst(%dma_wait3A_357 : memref<40x128xf32, #tpu.memory_space<vmem>>)
      %dma_wait3A_366 = arith.constant 0 : i32
      %dma_wait3A_367 = arith.constant 0 : i32
      %dma_wait3A_368 = arith.constant 0 : i32
      %dma_wait3A_369 = tpu.memref_slice %arg16[%rem3A_335, %dma_wait3A_367, %dma_wait3A_368] : memref<3x40x128xf32, #tpu.memory_space<vmem>> -> memref<1x40x128xf32, #tpu.memory_space<vmem>>
      %dma_wait3A_370 = tpu.memref_squeeze %dma_wait3A_369 : memref<1x40x128xf32, #tpu.memory_space<vmem>> -> memref<40x128xf32, #tpu.memory_space<vmem>>
      %dma_wait3A_371 = arith.constant 0 : i32
      %dma_wait3A_372 = tpu.memref_slice %arg12[%rem3A_337, %dma_wait3A_366, %dma_wait3A_371] : memref<4x2x40xi32, #tpu.memory_space<vmem>> -> memref<1x1x40xi32, #tpu.memory_space<vmem>>
      %dma_wait3A_373 = tpu.memref_squeeze %dma_wait3A_372 : memref<1x1x40xi32, #tpu.memory_space<vmem>> -> memref<40xi32, #tpu.memory_space<vmem>>
      %dma_wait3A_374 = arith.constant 0 : i32
      %dma_wait3A_375 = arith.constant 0 : i32
      %dma_wait3A_376 = tpu.memref_slice %arg3[%dma_wait3A_374, %dma_wait3A_375] : memref<10000x128xf32, #tpu.memory_space<hbm>> -> memref<10000x128xf32, #tpu.memory_space<hbm>>
      %dma_wait3A_377 = tpu.memref_slice %arg21[%rem3A_335] : memref<3x!tpu.dma_semaphore, #tpu.memory_space<semaphore_mem>> -> memref<1x!tpu.dma_semaphore, #tpu.memory_space<semaphore_mem>>
      %dma_wait3A_378 = tpu.memref_squeeze %dma_wait3A_377 : memref<1x!tpu.dma_semaphore, #tpu.memory_space<semaphore_mem>> -> memref<!tpu.dma_semaphore, #tpu.memory_space<semaphore_mem>>
      tpu.wait_indirect_dma semaphore(%dma_wait3A_378 : memref<!tpu.dma_semaphore, #tpu.memory_space<semaphore_mem>>) src(%dma_wait3A_376 : memref<10000x128xf32, #tpu.memory_space<hbm>>) dst(%dma_wait3A_370 : memref<40x128xf32, #tpu.memory_space<vmem>>)
      %parallel_loop3A = arith.constant 0 : i32
      %parallel_loop3A_379 = arith.constant 40 : i32
      %parallel_loop3A_380 = arith.constant 1 : i32
      scf.for %parallel_loop3A_403 = %parallel_loop3A to %parallel_loop3A_379 step %parallel_loop3A_380  : i32 {
        %parallel_loop3A_404 = vector.broadcast %parallel_loop3A_403 : i32 to vector<16xi32>
        %parallel_loop3A_405 = vector.broadcast %rem3A_337 : i32 to vector<16xi32>
        %parallel_loop3A_406 = arith.constant 0 : i32
        %parallel_loop3A_407 = vector.broadcast %parallel_loop3A_406 : i32 to vector<16xi32>
        %parallel_loop3A_408 = tpu.vector_load_idx %arg13[%parallel_loop3A_405, %parallel_loop3A_407, %parallel_loop3A_404] : memref<4x3x40xf32, #tpu.memory_space<vmem>>[vector<16xi32>, vector<16xi32>, vector<16xi32>], vector<16xf32>,
        %parallel_loop3A_409 = arith.constant 1 : i32
        %parallel_loop3A_410 = vector.broadcast %parallel_loop3A_409 : i32 to vector<16xi32>
        %parallel_loop3A_411 = tpu.vector_load_idx %arg13[%parallel_loop3A_405, %parallel_loop3A_410, %parallel_loop3A_404] : memref<4x3x40xf32, #tpu.memory_space<vmem>>[vector<16xi32>, vector<16xi32>, vector<16xi32>], vector<16xf32>,
        %parallel_loop3A_412 = arith.constant 2 : i32
        %parallel_loop3A_413 = vector.broadcast %parallel_loop3A_412 : i32 to vector<16xi32>
        %parallel_loop3A_414 = tpu.vector_load_idx %arg13[%parallel_loop3A_405, %parallel_loop3A_413, %parallel_loop3A_404] : memref<4x3x40xf32, #tpu.memory_space<vmem>>[vector<16xi32>, vector<16xi32>, vector<16xi32>], vector<16xf32>,
        %parallel_loop3A_415 = arith.index_cast %rem3A_335 : i32 to index
        %parallel_loop3A_416 = arith.index_cast %parallel_loop3A_403 : i32 to index
        %parallel_loop3A_417 = arith.constant 0 : index
        %parallel_loop3A_418 = tpu.vector_load %arg15[%parallel_loop3A_415, %parallel_loop3A_416, %parallel_loop3A_417] {strides = array<i32>} : memref<3x40x128xf32, #tpu.memory_space<vmem>>, vector<16xf32>,
        %parallel_loop3A_419 = arith.index_cast %rem3A_335 : i32 to index
        %parallel_loop3A_420 = arith.index_cast %parallel_loop3A_403 : i32 to index
        %parallel_loop3A_421 = arith.constant 0 : index
        %parallel_loop3A_422 = tpu.vector_load %arg16[%parallel_loop3A_419, %parallel_loop3A_420, %parallel_loop3A_421] {strides = array<i32>} : memref<3x40x128xf32, #tpu.memory_space<vmem>>, vector<16xf32>,
        %parallel_loop3A_423 = arith.addf %parallel_loop3A_418, %parallel_loop3A_422 : vector<16xf32>
        %parallel_loop3A_424 = arith.mulf %parallel_loop3A_408, %get3A_37 : vector<16xf32>
        %parallel_loop3A_425 = arith.addf %parallel_loop3A_423, %parallel_loop3A_424 : vector<16xf32>
        %parallel_loop3A_426 = arith.mulf %parallel_loop3A_411, %get3A_69 : vector<16xf32>
        %parallel_loop3A_427 = arith.addf %parallel_loop3A_425, %parallel_loop3A_426 : vector<16xf32>
        %parallel_loop3A_428 = arith.mulf %parallel_loop3A_414, %get3A_101 : vector<16xf32>
        %parallel_loop3A_429 = arith.addf %parallel_loop3A_427, %parallel_loop3A_428 : vector<16xf32>
        %parallel_loop3A_430 = arith.constant 0.000000e+00 : f32
        %parallel_loop3A_431 = vector.broadcast %parallel_loop3A_430 : f32 to vector<16xf32>
        %parallel_loop3A_432 = arith.maximumf %parallel_loop3A_429, %parallel_loop3A_431 : vector<16xf32>
        %parallel_loop3A_433 = arith.index_cast %rem3A_335 : i32 to index
        %parallel_loop3A_434 = arith.index_cast %parallel_loop3A_403 : i32 to index
        %parallel_loop3A_435 = arith.constant 0 : index
        %parallel_loop3A_436 = tpu.vector_load %arg15[%parallel_loop3A_433, %parallel_loop3A_434, %parallel_loop3A_435] {strides = array<i32>} : memref<3x40x128xf32, #tpu.memory_space<vmem>>, vector<16xf32>,
        tpu.vector_store %arg15[%parallel_loop3A_433, %parallel_loop3A_434, %parallel_loop3A_435], %parallel_loop3A_432 {strides = array<i32>} : memref<3x40x128xf32, #tpu.memory_space<vmem>>, vector<16xf32>,
        %parallel_loop3A_437 = arith.index_cast %rem3A_335 : i32 to index
        %parallel_loop3A_438 = arith.index_cast %parallel_loop3A_403 : i32 to index
        %parallel_loop3A_439 = arith.constant 16 : index
        %parallel_loop3A_440 = tpu.vector_load %arg15[%parallel_loop3A_437, %parallel_loop3A_438, %parallel_loop3A_439] {strides = array<i32>} : memref<3x40x128xf32, #tpu.memory_space<vmem>>, vector<16xf32>,
        %parallel_loop3A_441 = arith.index_cast %rem3A_335 : i32 to index
        %parallel_loop3A_442 = arith.index_cast %parallel_loop3A_403 : i32 to index
        %parallel_loop3A_443 = arith.constant 16 : index
        %parallel_loop3A_444 = tpu.vector_load %arg16[%parallel_loop3A_441, %parallel_loop3A_442, %parallel_loop3A_443] {strides = array<i32>} : memref<3x40x128xf32, #tpu.memory_space<vmem>>, vector<16xf32>,
        %parallel_loop3A_445 = arith.addf %parallel_loop3A_440, %parallel_loop3A_444 : vector<16xf32>
        %parallel_loop3A_446 = arith.mulf %parallel_loop3A_408, %get3A_41 : vector<16xf32>
        %parallel_loop3A_447 = arith.addf %parallel_loop3A_445, %parallel_loop3A_446 : vector<16xf32>
        %parallel_loop3A_448 = arith.mulf %parallel_loop3A_411, %get3A_73 : vector<16xf32>
        %parallel_loop3A_449 = arith.addf %parallel_loop3A_447, %parallel_loop3A_448 : vector<16xf32>
        %parallel_loop3A_450 = arith.mulf %parallel_loop3A_414, %get3A_105 : vector<16xf32>
        %parallel_loop3A_451 = arith.addf %parallel_loop3A_449, %parallel_loop3A_450 : vector<16xf32>
        %parallel_loop3A_452 = arith.constant 0.000000e+00 : f32
        %parallel_loop3A_453 = vector.broadcast %parallel_loop3A_452 : f32 to vector<16xf32>
        %parallel_loop3A_454 = arith.maximumf %parallel_loop3A_451, %parallel_loop3A_453 : vector<16xf32>
        %parallel_loop3A_455 = arith.index_cast %rem3A_335 : i32 to index
        %parallel_loop3A_456 = arith.index_cast %parallel_loop3A_403 : i32 to index
        %parallel_loop3A_457 = arith.constant 16 : index
        %parallel_loop3A_458 = tpu.vector_load %arg15[%parallel_loop3A_455, %parallel_loop3A_456, %parallel_loop3A_457] {strides = array<i32>} : memref<3x40x128xf32, #tpu.memory_space<vmem>>, vector<16xf32>,
        tpu.vector_store %arg15[%parallel_loop3A_455, %parallel_loop3A_456, %parallel_loop3A_457], %parallel_loop3A_454 {strides = array<i32>} : memref<3x40x128xf32, #tpu.memory_space<vmem>>, vector<16xf32>,
        %parallel_loop3A_459 = arith.index_cast %rem3A_335 : i32 to index
        %parallel_loop3A_460 = arith.index_cast %parallel_loop3A_403 : i32 to index
        %parallel_loop3A_461 = arith.constant 32 : index
        %parallel_loop3A_462 = tpu.vector_load %arg15[%parallel_loop3A_459, %parallel_loop3A_460, %parallel_loop3A_461] {strides = array<i32>} : memref<3x40x128xf32, #tpu.memory_space<vmem>>, vector<16xf32>,
        %parallel_loop3A_463 = arith.index_cast %rem3A_335 : i32 to index
        %parallel_loop3A_464 = arith.index_cast %parallel_loop3A_403 : i32 to index
        %parallel_loop3A_465 = arith.constant 32 : index
        %parallel_loop3A_466 = tpu.vector_load %arg16[%parallel_loop3A_463, %parallel_loop3A_464, %parallel_loop3A_465] {strides = array<i32>} : memref<3x40x128xf32, #tpu.memory_space<vmem>>, vector<16xf32>,
        %parallel_loop3A_467 = arith.addf %parallel_loop3A_462, %parallel_loop3A_466 : vector<16xf32>
        %parallel_loop3A_468 = arith.mulf %parallel_loop3A_408, %get3A_45 : vector<16xf32>
        %parallel_loop3A_469 = arith.addf %parallel_loop3A_467, %parallel_loop3A_468 : vector<16xf32>
        %parallel_loop3A_470 = arith.mulf %parallel_loop3A_411, %get3A_77 : vector<16xf32>
        %parallel_loop3A_471 = arith.addf %parallel_loop3A_469, %parallel_loop3A_470 : vector<16xf32>
        %parallel_loop3A_472 = arith.mulf %parallel_loop3A_414, %get3A_109 : vector<16xf32>
        %parallel_loop3A_473 = arith.addf %parallel_loop3A_471, %parallel_loop3A_472 : vector<16xf32>
        %parallel_loop3A_474 = arith.constant 0.000000e+00 : f32
        %parallel_loop3A_475 = vector.broadcast %parallel_loop3A_474 : f32 to vector<16xf32>
        %parallel_loop3A_476 = arith.maximumf %parallel_loop3A_473, %parallel_loop3A_475 : vector<16xf32>
        %parallel_loop3A_477 = arith.index_cast %rem3A_335 : i32 to index
        %parallel_loop3A_478 = arith.index_cast %parallel_loop3A_403 : i32 to index
        %parallel_loop3A_479 = arith.constant 32 : index
        %parallel_loop3A_480 = tpu.vector_load %arg15[%parallel_loop3A_477, %parallel_loop3A_478, %parallel_loop3A_479] {strides = array<i32>} : memref<3x40x128xf32, #tpu.memory_space<vmem>>, vector<16xf32>,
        tpu.vector_store %arg15[%parallel_loop3A_477, %parallel_loop3A_478, %parallel_loop3A_479], %parallel_loop3A_476 {strides = array<i32>} : memref<3x40x128xf32, #tpu.memory_space<vmem>>, vector<16xf32>,
        %parallel_loop3A_481 = arith.index_cast %rem3A_335 : i32 to index
        %parallel_loop3A_482 = arith.index_cast %parallel_loop3A_403 : i32 to index
        %parallel_loop3A_483 = arith.constant 48 : index
        %parallel_loop3A_484 = tpu.vector_load %arg15[%parallel_loop3A_481, %parallel_loop3A_482, %parallel_loop3A_483] {strides = array<i32>} : memref<3x40x128xf32, #tpu.memory_space<vmem>>, vector<16xf32>,
        %parallel_loop3A_485 = arith.index_cast %rem3A_335 : i32 to index
        %parallel_loop3A_486 = arith.index_cast %parallel_loop3A_403 : i32 to index
        %parallel_loop3A_487 = arith.constant 48 : index
        %parallel_loop3A_488 = tpu.vector_load %arg16[%parallel_loop3A_485, %parallel_loop3A_486, %parallel_loop3A_487] {strides = array<i32>} : memref<3x40x128xf32, #tpu.memory_space<vmem>>, vector<16xf32>,
        %parallel_loop3A_489 = arith.addf %parallel_loop3A_484, %parallel_loop3A_488 : vector<16xf32>
        %parallel_loop3A_490 = arith.mulf %parallel_loop3A_408, %get3A_49 : vector<16xf32>
        %parallel_loop3A_491 = arith.addf %parallel_loop3A_489, %parallel_loop3A_490 : vector<16xf32>
        %parallel_loop3A_492 = arith.mulf %parallel_loop3A_411, %get3A_81 : vector<16xf32>
        %parallel_loop3A_493 = arith.addf %parallel_loop3A_491, %parallel_loop3A_492 : vector<16xf32>
        %parallel_loop3A_494 = arith.mulf %parallel_loop3A_414, %get3A_113 : vector<16xf32>
        %parallel_loop3A_495 = arith.addf %parallel_loop3A_493, %parallel_loop3A_494 : vector<16xf32>
        %parallel_loop3A_496 = arith.constant 0.000000e+00 : f32
        %parallel_loop3A_497 = vector.broadcast %parallel_loop3A_496 : f32 to vector<16xf32>
        %parallel_loop3A_498 = arith.maximumf %parallel_loop3A_495, %parallel_loop3A_497 : vector<16xf32>
        %parallel_loop3A_499 = arith.index_cast %rem3A_335 : i32 to index
        %parallel_loop3A_500 = arith.index_cast %parallel_loop3A_403 : i32 to index
        %parallel_loop3A_501 = arith.constant 48 : index
        %parallel_loop3A_502 = tpu.vector_load %arg15[%parallel_loop3A_499, %parallel_loop3A_500, %parallel_loop3A_501] {strides = array<i32>} : memref<3x40x128xf32, #tpu.memory_space<vmem>>, vector<16xf32>,
        tpu.vector_store %arg15[%parallel_loop3A_499, %parallel_loop3A_500, %parallel_loop3A_501], %parallel_loop3A_498 {strides = array<i32>} : memref<3x40x128xf32, #tpu.memory_space<vmem>>, vector<16xf32>,
        %parallel_loop3A_503 = arith.index_cast %rem3A_335 : i32 to index
        %parallel_loop3A_504 = arith.index_cast %parallel_loop3A_403 : i32 to index
        %parallel_loop3A_505 = arith.constant 64 : index
        %parallel_loop3A_506 = tpu.vector_load %arg15[%parallel_loop3A_503, %parallel_loop3A_504, %parallel_loop3A_505] {strides = array<i32>} : memref<3x40x128xf32, #tpu.memory_space<vmem>>, vector<16xf32>,
        %parallel_loop3A_507 = arith.index_cast %rem3A_335 : i32 to index
        %parallel_loop3A_508 = arith.index_cast %parallel_loop3A_403 : i32 to index
        %parallel_loop3A_509 = arith.constant 64 : index
        %parallel_loop3A_510 = tpu.vector_load %arg16[%parallel_loop3A_507, %parallel_loop3A_508, %parallel_loop3A_509] {strides = array<i32>} : memref<3x40x128xf32, #tpu.memory_space<vmem>>, vector<16xf32>,
        %parallel_loop3A_511 = arith.addf %parallel_loop3A_506, %parallel_loop3A_510 : vector<16xf32>
        %parallel_loop3A_512 = arith.mulf %parallel_loop3A_408, %get3A_53 : vector<16xf32>
        %parallel_loop3A_513 = arith.addf %parallel_loop3A_511, %parallel_loop3A_512 : vector<16xf32>
        %parallel_loop3A_514 = arith.mulf %parallel_loop3A_411, %get3A_85 : vector<16xf32>
        %parallel_loop3A_515 = arith.addf %parallel_loop3A_513, %parallel_loop3A_514 : vector<16xf32>
        %parallel_loop3A_516 = arith.mulf %parallel_loop3A_414, %get3A_117 : vector<16xf32>
        %parallel_loop3A_517 = arith.addf %parallel_loop3A_515, %parallel_loop3A_516 : vector<16xf32>
        %parallel_loop3A_518 = arith.constant 0.000000e+00 : f32
        %parallel_loop3A_519 = vector.broadcast %parallel_loop3A_518 : f32 to vector<16xf32>
        %parallel_loop3A_520 = arith.maximumf %parallel_loop3A_517, %parallel_loop3A_519 : vector<16xf32>
        %parallel_loop3A_521 = arith.index_cast %rem3A_335 : i32 to index
        %parallel_loop3A_522 = arith.index_cast %parallel_loop3A_403 : i32 to index
        %parallel_loop3A_523 = arith.constant 64 : index
        %parallel_loop3A_524 = tpu.vector_load %arg15[%parallel_loop3A_521, %parallel_loop3A_522, %parallel_loop3A_523] {strides = array<i32>} : memref<3x40x128xf32, #tpu.memory_space<vmem>>, vector<16xf32>,
        tpu.vector_store %arg15[%parallel_loop3A_521, %parallel_loop3A_522, %parallel_loop3A_523], %parallel_loop3A_520 {strides = array<i32>} : memref<3x40x128xf32, #tpu.memory_space<vmem>>, vector<16xf32>,
        %parallel_loop3A_525 = arith.index_cast %rem3A_335 : i32 to index
        %parallel_loop3A_526 = arith.index_cast %parallel_loop3A_403 : i32 to index
        %parallel_loop3A_527 = arith.constant 80 : index
        %parallel_loop3A_528 = tpu.vector_load %arg15[%parallel_loop3A_525, %parallel_loop3A_526, %parallel_loop3A_527] {strides = array<i32>} : memref<3x40x128xf32, #tpu.memory_space<vmem>>, vector<16xf32>,
        %parallel_loop3A_529 = arith.index_cast %rem3A_335 : i32 to index
        %parallel_loop3A_530 = arith.index_cast %parallel_loop3A_403 : i32 to index
        %parallel_loop3A_531 = arith.constant 80 : index
        %parallel_loop3A_532 = tpu.vector_load %arg16[%parallel_loop3A_529, %parallel_loop3A_530, %parallel_loop3A_531] {strides = array<i32>} : memref<3x40x128xf32, #tpu.memory_space<vmem>>, vector<16xf32>,
        %parallel_loop3A_533 = arith.addf %parallel_loop3A_528, %parallel_loop3A_532 : vector<16xf32>
        %parallel_loop3A_534 = arith.mulf %parallel_loop3A_408, %get3A_57 : vector<16xf32>
        %parallel_loop3A_535 = arith.addf %parallel_loop3A_533, %parallel_loop3A_534 : vector<16xf32>
        %parallel_loop3A_536 = arith.mulf %parallel_loop3A_411, %get3A_89 : vector<16xf32>
        %parallel_loop3A_537 = arith.addf %parallel_loop3A_535, %parallel_loop3A_536 : vector<16xf32>
        %parallel_loop3A_538 = arith.mulf %parallel_loop3A_414, %get3A_121 : vector<16xf32>
        %parallel_loop3A_539 = arith.addf %parallel_loop3A_537, %parallel_loop3A_538 : vector<16xf32>
        %parallel_loop3A_540 = arith.constant 0.000000e+00 : f32
        %parallel_loop3A_541 = vector.broadcast %parallel_loop3A_540 : f32 to vector<16xf32>
        %parallel_loop3A_542 = arith.maximumf %parallel_loop3A_539, %parallel_loop3A_541 : vector<16xf32>
        %parallel_loop3A_543 = arith.index_cast %rem3A_335 : i32 to index
        %parallel_loop3A_544 = arith.index_cast %parallel_loop3A_403 : i32 to index
        %parallel_loop3A_545 = arith.constant 80 : index
        %parallel_loop3A_546 = tpu.vector_load %arg15[%parallel_loop3A_543, %parallel_loop3A_544, %parallel_loop3A_545] {strides = array<i32>} : memref<3x40x128xf32, #tpu.memory_space<vmem>>, vector<16xf32>,
        tpu.vector_store %arg15[%parallel_loop3A_543, %parallel_loop3A_544, %parallel_loop3A_545], %parallel_loop3A_542 {strides = array<i32>} : memref<3x40x128xf32, #tpu.memory_space<vmem>>, vector<16xf32>,
        %parallel_loop3A_547 = arith.index_cast %rem3A_335 : i32 to index
        %parallel_loop3A_548 = arith.index_cast %parallel_loop3A_403 : i32 to index
        %parallel_loop3A_549 = arith.constant 96 : index
        %parallel_loop3A_550 = tpu.vector_load %arg15[%parallel_loop3A_547, %parallel_loop3A_548, %parallel_loop3A_549] {strides = array<i32>} : memref<3x40x128xf32, #tpu.memory_space<vmem>>, vector<16xf32>,
        %parallel_loop3A_551 = arith.index_cast %rem3A_335 : i32 to index
        %parallel_loop3A_552 = arith.index_cast %parallel_loop3A_403 : i32 to index
        %parallel_loop3A_553 = arith.constant 96 : index
        %parallel_loop3A_554 = tpu.vector_load %arg16[%parallel_loop3A_551, %parallel_loop3A_552, %parallel_loop3A_553] {strides = array<i32>} : memref<3x40x128xf32, #tpu.memory_space<vmem>>, vector<16xf32>,
        %parallel_loop3A_555 = arith.addf %parallel_loop3A_550, %parallel_loop3A_554 : vector<16xf32>
        %parallel_loop3A_556 = arith.mulf %parallel_loop3A_408, %get3A_61 : vector<16xf32>
        %parallel_loop3A_557 = arith.addf %parallel_loop3A_555, %parallel_loop3A_556 : vector<16xf32>
        %parallel_loop3A_558 = arith.mulf %parallel_loop3A_411, %get3A_93 : vector<16xf32>
        %parallel_loop3A_559 = arith.addf %parallel_loop3A_557, %parallel_loop3A_558 : vector<16xf32>
        %parallel_loop3A_560 = arith.mulf %parallel_loop3A_414, %get3A_125 : vector<16xf32>
        %parallel_loop3A_561 = arith.addf %parallel_loop3A_559, %parallel_loop3A_560 : vector<16xf32>
        %parallel_loop3A_562 = arith.constant 0.000000e+00 : f32
        %parallel_loop3A_563 = vector.broadcast %parallel_loop3A_562 : f32 to vector<16xf32>
        %parallel_loop3A_564 = arith.maximumf %parallel_loop3A_561, %parallel_loop3A_563 : vector<16xf32>
        %parallel_loop3A_565 = arith.index_cast %rem3A_335 : i32 to index
        %parallel_loop3A_566 = arith.index_cast %parallel_loop3A_403 : i32 to index
        %parallel_loop3A_567 = arith.constant 96 : index
        %parallel_loop3A_568 = tpu.vector_load %arg15[%parallel_loop3A_565, %parallel_loop3A_566, %parallel_loop3A_567] {strides = array<i32>} : memref<3x40x128xf32, #tpu.memory_space<vmem>>, vector<16xf32>,
        tpu.vector_store %arg15[%parallel_loop3A_565, %parallel_loop3A_566, %parallel_loop3A_567], %parallel_loop3A_564 {strides = array<i32>} : memref<3x40x128xf32, #tpu.memory_space<vmem>>, vector<16xf32>,
        %parallel_loop3A_569 = arith.index_cast %rem3A_335 : i32 to index
        %parallel_loop3A_570 = arith.index_cast %parallel_loop3A_403 : i32 to index
        %parallel_loop3A_571 = arith.constant 112 : index
        %parallel_loop3A_572 = tpu.vector_load %arg15[%parallel_loop3A_569, %parallel_loop3A_570, %parallel_loop3A_571] {strides = array<i32>} : memref<3x40x128xf32, #tpu.memory_space<vmem>>, vector<16xf32>,
        %parallel_loop3A_573 = arith.index_cast %rem3A_335 : i32 to index
        %parallel_loop3A_574 = arith.index_cast %parallel_loop3A_403 : i32 to index
        %parallel_loop3A_575 = arith.constant 112 : index
        %parallel_loop3A_576 = tpu.vector_load %arg16[%parallel_loop3A_573, %parallel_loop3A_574, %parallel_loop3A_575] {strides = array<i32>} : memref<3x40x128xf32, #tpu.memory_space<vmem>>, vector<16xf32>,
        %parallel_loop3A_577 = arith.addf %parallel_loop3A_572, %parallel_loop3A_576 : vector<16xf32>
        %parallel_loop3A_578 = arith.mulf %parallel_loop3A_408, %get3A_65 : vector<16xf32>
        %parallel_loop3A_579 = arith.addf %parallel_loop3A_577, %parallel_loop3A_578 : vector<16xf32>
        %parallel_loop3A_580 = arith.mulf %parallel_loop3A_411, %get3A_97 : vector<16xf32>
        %parallel_loop3A_581 = arith.addf %parallel_loop3A_579, %parallel_loop3A_580 : vector<16xf32>
        %parallel_loop3A_582 = arith.mulf %parallel_loop3A_414, %get3A_129 : vector<16xf32>
        %parallel_loop3A_583 = arith.addf %parallel_loop3A_581, %parallel_loop3A_582 : vector<16xf32>
        %parallel_loop3A_584 = arith.constant 0.000000e+00 : f32
        %parallel_loop3A_585 = vector.broadcast %parallel_loop3A_584 : f32 to vector<16xf32>
        %parallel_loop3A_586 = arith.maximumf %parallel_loop3A_583, %parallel_loop3A_585 : vector<16xf32>
        %parallel_loop3A_587 = arith.index_cast %rem3A_335 : i32 to index
        %parallel_loop3A_588 = arith.index_cast %parallel_loop3A_403 : i32 to index
        %parallel_loop3A_589 = arith.constant 112 : index
        %parallel_loop3A_590 = tpu.vector_load %arg15[%parallel_loop3A_587, %parallel_loop3A_588, %parallel_loop3A_589] {strides = array<i32>} : memref<3x40x128xf32, #tpu.memory_space<vmem>>, vector<16xf32>,
        tpu.vector_store %arg15[%parallel_loop3A_587, %parallel_loop3A_588, %parallel_loop3A_589], %parallel_loop3A_586 {strides = array<i32>} : memref<3x40x128xf32, #tpu.memory_space<vmem>>, vector<16xf32>,
      } {sc.loop_unroll_factor = 8 : i64, sc.parallel_access}
      %dma_start3A_381 = arith.constant 1 : i32
      %dma_start3A_382 = arith.constant 0 : i32
      %dma_start3A_383 = arith.constant 0 : i32
      %dma_start3A_384 = tpu.memref_slice %arg15[%rem3A_335, %dma_start3A_382, %dma_start3A_383] : memref<3x40x128xf32, #tpu.memory_space<vmem>> -> memref<1x40x128xf32, #tpu.memory_space<vmem>>
      %dma_start3A_385 = tpu.memref_squeeze %dma_start3A_384 : memref<1x40x128xf32, #tpu.memory_space<vmem>> -> memref<40x128xf32, #tpu.memory_space<vmem>>
      %dma_start3A_386 = arith.constant 0 : i32
      %dma_start3A_387 = tpu.memref_slice %arg12[%rem3A_337, %dma_start3A_381, %dma_start3A_386] : memref<4x2x40xi32, #tpu.memory_space<vmem>> -> memref<1x1x40xi32, #tpu.memory_space<vmem>>
      %dma_start3A_388 = tpu.memref_squeeze %dma_start3A_387 : memref<1x1x40xi32, #tpu.memory_space<vmem>> -> memref<40xi32, #tpu.memory_space<vmem>>
      %dma_start3A_389 = arith.constant 0 : i32
      %dma_start3A_390 = arith.constant 0 : i32
      %dma_start3A_391 = tpu.memref_slice %arg18[%dma_start3A_389, %dma_start3A_390] : memref<10000x128xf32, #tpu.memory_space<vmem_shared>> -> memref<10000x128xf32, #tpu.memory_space<vmem_shared>>
      %dma_start3A_392 = tpu.memref_slice %arg22[%rem3A_335] : memref<3x!tpu.dma_semaphore, #tpu.memory_space<semaphore_mem>> -> memref<1x!tpu.dma_semaphore, #tpu.memory_space<semaphore_mem>>
      %dma_start3A_393 = tpu.memref_squeeze %dma_start3A_392 : memref<1x!tpu.dma_semaphore, #tpu.memory_space<semaphore_mem>> -> memref<!tpu.dma_semaphore, #tpu.memory_space<semaphore_mem>>
      tpu.enqueue_indirect_dma source(%dma_start3A_385 : memref<40x128xf32, #tpu.memory_space<vmem>>) target(%dma_start3A_391 : memref<10000x128xf32, #tpu.memory_space<vmem_shared>>) offsets(%dma_start3A_388 : memref<40xi32, #tpu.memory_space<vmem>>) semaphore(%dma_start3A_393 : memref<!tpu.dma_semaphore, #tpu.memory_space<semaphore_mem>>) {add = true}
      %dma_start3A_394 = arith.constant 1 : i32
      %dma_start3A_395 = arith.constant 0 : i32
      %dma_start3A_396 = tpu.memref_slice %arg12[%rem3A_337, %dma_start3A_394, %dma_start3A_395] : memref<4x2x40xi32, #tpu.memory_space<vmem>> -> memref<1x1x40xi32, #tpu.memory_space<vmem>>
      %dma_start3A_397 = tpu.memref_squeeze %dma_start3A_396 : memref<1x1x40xi32, #tpu.memory_space<vmem>> -> memref<40xi32, #tpu.memory_space<vmem>>
      %dma_start3A_398 = arith.constant 0 : i32
      %dma_start3A_399 = arith.constant 0 : i32
      %dma_start3A_400 = tpu.memref_slice %arg19[%dma_start3A_398, %dma_start3A_399] : memref<10000x16xf32, #tpu.memory_space<vmem_shared>> -> memref<10000x16xf32, #tpu.memory_space<vmem_shared>>
      %dma_start3A_401 = tpu.memref_slice %arg22[%rem3A_335] : memref<3x!tpu.dma_semaphore, #tpu.memory_space<semaphore_mem>> -> memref<1x!tpu.dma_semaphore, #tpu.memory_space<semaphore_mem>>
      %dma_start3A_402 = tpu.memref_squeeze %dma_start3A_401 : memref<1x!tpu.dma_semaphore, #tpu.memory_space<semaphore_mem>> -> memref<!tpu.dma_semaphore, #tpu.memory_space<semaphore_mem>>
      tpu.enqueue_indirect_dma source(%arg17 : memref<40x16xf32, #tpu.memory_space<vmem>>) target(%dma_start3A_400 : memref<10000x16xf32, #tpu.memory_space<vmem_shared>>) offsets(%dma_start3A_397 : memref<40xi32, #tpu.memory_space<vmem>>) semaphore(%dma_start3A_402 : memref<!tpu.dma_semaphore, #tpu.memory_space<semaphore_mem>>) {add = true}
    }
    %scan3A_278 = arith.constant 250 : i32
    %dma_wait3A_279 = arith.constant 2 : i32
    %dma_wait3A_280 = arith.constant 0 : i32
    %dma_wait3A_281 = arith.constant 1 : i32
    %dma_wait3A_282 = arith.constant 2 : i32
    %dma_wait3A_283 = arith.constant 0 : i32
    %dma_wait3A_284 = arith.constant 0 : i32
    %dma_wait3A_285 = tpu.memref_slice %arg15[%dma_wait3A_279, %dma_wait3A_283, %dma_wait3A_284] : memref<3x40x128xf32, #tpu.memory_space<vmem>> -> memref<1x40x128xf32, #tpu.memory_space<vmem>>
    %dma_wait3A_286 = tpu.memref_squeeze %dma_wait3A_285 : memref<1x40x128xf32, #tpu.memory_space<vmem>> -> memref<40x128xf32, #tpu.memory_space<vmem>>
    %dma_wait3A_287 = arith.constant 0 : i32
    %dma_wait3A_288 = tpu.memref_slice %arg12[%dma_wait3A_280, %dma_wait3A_281, %dma_wait3A_287] : memref<4x2x40xi32, #tpu.memory_space<vmem>> -> memref<1x1x40xi32, #tpu.memory_space<vmem>>
    %dma_wait3A_289 = tpu.memref_squeeze %dma_wait3A_288 : memref<1x1x40xi32, #tpu.memory_space<vmem>> -> memref<40xi32, #tpu.memory_space<vmem>>
    %dma_wait3A_290 = arith.constant 0 : i32
    %dma_wait3A_291 = arith.constant 0 : i32
    %dma_wait3A_292 = tpu.memref_slice %arg18[%dma_wait3A_290, %dma_wait3A_291] : memref<10000x128xf32, #tpu.memory_space<vmem_shared>> -> memref<10000x128xf32, #tpu.memory_space<vmem_shared>>
    %dma_wait3A_293 = tpu.memref_slice %arg22[%dma_wait3A_282] : memref<3x!tpu.dma_semaphore, #tpu.memory_space<semaphore_mem>> -> memref<1x!tpu.dma_semaphore, #tpu.memory_space<semaphore_mem>>
    %dma_wait3A_294 = tpu.memref_squeeze %dma_wait3A_293 : memref<1x!tpu.dma_semaphore, #tpu.memory_space<semaphore_mem>> -> memref<!tpu.dma_semaphore, #tpu.memory_space<semaphore_mem>>
    tpu.wait_indirect_dma semaphore(%dma_wait3A_294 : memref<!tpu.dma_semaphore, #tpu.memory_space<semaphore_mem>>) src(%dma_wait3A_286 : memref<40x128xf32, #tpu.memory_space<vmem>>) dst(%dma_wait3A_292 : memref<10000x128xf32, #tpu.memory_space<vmem_shared>>)
    %dma_wait3A_295 = arith.constant 0 : i32
    %dma_wait3A_296 = arith.constant 1 : i32
    %dma_wait3A_297 = arith.constant 2 : i32
    %dma_wait3A_298 = arith.constant 0 : i32
    %dma_wait3A_299 = tpu.memref_slice %arg12[%dma_wait3A_295, %dma_wait3A_296, %dma_wait3A_298] : memref<4x2x40xi32, #tpu.memory_space<vmem>> -> memref<1x1x40xi32, #tpu.memory_space<vmem>>
    %dma_wait3A_300 = tpu.memref_squeeze %dma_wait3A_299 : memref<1x1x40xi32, #tpu.memory_space<vmem>> -> memref<40xi32, #tpu.memory_space<vmem>>
    %dma_wait3A_301 = arith.constant 0 : i32
    %dma_wait3A_302 = arith.constant 0 : i32
    %dma_wait3A_303 = tpu.memref_slice %arg19[%dma_wait3A_301, %dma_wait3A_302] : memref<10000x16xf32, #tpu.memory_space<vmem_shared>> -> memref<10000x16xf32, #tpu.memory_space<vmem_shared>>
    %dma_wait3A_304 = tpu.memref_slice %arg22[%dma_wait3A_297] : memref<3x!tpu.dma_semaphore, #tpu.memory_space<semaphore_mem>> -> memref<1x!tpu.dma_semaphore, #tpu.memory_space<semaphore_mem>>
    %dma_wait3A_305 = tpu.memref_squeeze %dma_wait3A_304 : memref<1x!tpu.dma_semaphore, #tpu.memory_space<semaphore_mem>> -> memref<!tpu.dma_semaphore, #tpu.memory_space<semaphore_mem>>
    tpu.wait_indirect_dma semaphore(%dma_wait3A_305 : memref<!tpu.dma_semaphore, #tpu.memory_space<semaphore_mem>>) src(%arg17 : memref<40x16xf32, #tpu.memory_space<vmem>>) dst(%dma_wait3A_303 : memref<10000x16xf32, #tpu.memory_space<vmem_shared>>)
    %dma_wait3A_306 = arith.constant 0 : i32
    %dma_wait3A_307 = arith.constant 1 : i32
    %dma_wait3A_308 = arith.constant 1 : i32
    %dma_wait3A_309 = arith.constant 0 : i32
    %dma_wait3A_310 = arith.constant 0 : i32
    %dma_wait3A_311 = arith.constant 0 : i32
    %dma_wait3A_312 = tpu.memref_slice %arg15[%dma_wait3A_306, %dma_wait3A_310, %dma_wait3A_311] : memref<3x40x128xf32, #tpu.memory_space<vmem>> -> memref<1x40x128xf32, #tpu.memory_space<vmem>>
    %dma_wait3A_313 = tpu.memref_squeeze %dma_wait3A_312 : memref<1x40x128xf32, #tpu.memory_space<vmem>> -> memref<40x128xf32, #tpu.memory_space<vmem>>
    %dma_wait3A_314 = arith.constant 0 : i32
    %dma_wait3A_315 = tpu.memref_slice %arg12[%dma_wait3A_307, %dma_wait3A_308, %dma_wait3A_314] : memref<4x2x40xi32, #tpu.memory_space<vmem>> -> memref<1x1x40xi32, #tpu.memory_space<vmem>>
    %dma_wait3A_316 = tpu.memref_squeeze %dma_wait3A_315 : memref<1x1x40xi32, #tpu.memory_space<vmem>> -> memref<40xi32, #tpu.memory_space<vmem>>
    %dma_wait3A_317 = arith.constant 0 : i32
    %dma_wait3A_318 = arith.constant 0 : i32
    %dma_wait3A_319 = tpu.memref_slice %arg18[%dma_wait3A_317, %dma_wait3A_318] : memref<10000x128xf32, #tpu.memory_space<vmem_shared>> -> memref<10000x128xf32, #tpu.memory_space<vmem_shared>>
    %dma_wait3A_320 = tpu.memref_slice %arg22[%dma_wait3A_309] : memref<3x!tpu.dma_semaphore, #tpu.memory_space<semaphore_mem>> -> memref<1x!tpu.dma_semaphore, #tpu.memory_space<semaphore_mem>>
    %dma_wait3A_321 = tpu.memref_squeeze %dma_wait3A_320 : memref<1x!tpu.dma_semaphore, #tpu.memory_space<semaphore_mem>> -> memref<!tpu.dma_semaphore, #tpu.memory_space<semaphore_mem>>
    tpu.wait_indirect_dma semaphore(%dma_wait3A_321 : memref<!tpu.dma_semaphore, #tpu.memory_space<semaphore_mem>>) src(%dma_wait3A_313 : memref<40x128xf32, #tpu.memory_space<vmem>>) dst(%dma_wait3A_319 : memref<10000x128xf32, #tpu.memory_space<vmem_shared>>)
    %dma_wait3A_322 = arith.constant 1 : i32
    %dma_wait3A_323 = arith.constant 1 : i32
    %dma_wait3A_324 = arith.constant 0 : i32
    %dma_wait3A_325 = arith.constant 0 : i32
    %dma_wait3A_326 = tpu.memref_slice %arg12[%dma_wait3A_322, %dma_wait3A_323, %dma_wait3A_325] : memref<4x2x40xi32, #tpu.memory_space<vmem>> -> memref<1x1x40xi32, #tpu.memory_space<vmem>>
    %dma_wait3A_327 = tpu.memref_squeeze %dma_wait3A_326 : memref<1x1x40xi32, #tpu.memory_space<vmem>> -> memref<40xi32, #tpu.memory_space<vmem>>
    %dma_wait3A_328 = arith.constant 0 : i32
    %dma_wait3A_329 = arith.constant 0 : i32
    %dma_wait3A_330 = tpu.memref_slice %arg19[%dma_wait3A_328, %dma_wait3A_329] : memref<10000x16xf32, #tpu.memory_space<vmem_shared>> -> memref<10000x16xf32, #tpu.memory_space<vmem_shared>>
    %dma_wait3A_331 = tpu.memref_slice %arg22[%dma_wait3A_324] : memref<3x!tpu.dma_semaphore, #tpu.memory_space<semaphore_mem>> -> memref<1x!tpu.dma_semaphore, #tpu.memory_space<semaphore_mem>>
    %dma_wait3A_332 = tpu.memref_squeeze %dma_wait3A_331 : memref<1x!tpu.dma_semaphore, #tpu.memory_space<semaphore_mem>> -> memref<!tpu.dma_semaphore, #tpu.memory_space<semaphore_mem>>
    tpu.wait_indirect_dma semaphore(%dma_wait3A_332 : memref<!tpu.dma_semaphore, #tpu.memory_space<semaphore_mem>>) src(%arg17 : memref<40x16xf32, #tpu.memory_space<vmem>>) dst(%dma_wait3A_330 : memref<10000x16xf32, #tpu.memory_space<vmem_shared>>)
    %barrier3A_333 = arith.constant 0 : index
    tpu.barrier barrier_id(%barrier3A_333)
    "tpu.region"() ({
      %run_scoped3A = tpu.sem_alloc : memref<!tpu.dma_semaphore, #tpu.memory_space<semaphore_mem>>
      %dma_start3A_334 = arith.constant 0 : i32
      %dma_start3A_335 = tpu.memref_slice %arg10[%arg0, %mul3A_2, %dma_start3A_334] : memref<2x10000x128xf32, #tpu.memory_space<hbm>> -> memref<1x625x128xf32, #tpu.memory_space<hbm>>
      %dma_start3A_336 = tpu.memref_squeeze %dma_start3A_335 : memref<1x625x128xf32, #tpu.memory_space<hbm>> -> memref<625x128xf32, #tpu.memory_space<hbm>>
      %dma_start3A_337 = arith.constant 0 : i32
      %dma_start3A_338 = tpu.memref_slice %arg18[%mul3A_2, %dma_start3A_337] : memref<10000x128xf32, #tpu.memory_space<vmem_shared>> -> memref<625x128xf32, #tpu.memory_space<vmem_shared>>
      tpu.enqueue_dma source(%dma_start3A_338 : memref<625x128xf32, #tpu.memory_space<vmem_shared>>) target(%dma_start3A_336 : memref<625x128xf32, #tpu.memory_space<hbm>>) target_semaphore(%run_scoped3A : memref<!tpu.dma_semaphore, #tpu.memory_space<semaphore_mem>>)
      %dma_wait3A_339 = arith.constant 0 : i32
      %dma_wait3A_340 = tpu.memref_slice %arg10[%arg0, %mul3A_2, %dma_wait3A_339] : memref<2x10000x128xf32, #tpu.memory_space<hbm>> -> memref<1x625x128xf32, #tpu.memory_space<hbm>>
      %dma_wait3A_341 = tpu.memref_squeeze %dma_wait3A_340 : memref<1x625x128xf32, #tpu.memory_space<hbm>> -> memref<625x128xf32, #tpu.memory_space<hbm>>
      %dma_wait3A_342 = arith.constant 0 : i32
      %dma_wait3A_343 = tpu.memref_slice %arg18[%mul3A_2, %dma_wait3A_342] : memref<10000x128xf32, #tpu.memory_space<vmem_shared>> -> memref<625x128xf32, #tpu.memory_space<vmem_shared>>
      tpu.wait_dma2 semaphore(%run_scoped3A : memref<!tpu.dma_semaphore, #tpu.memory_space<semaphore_mem>>) src(%dma_wait3A_343 : memref<625x128xf32, #tpu.memory_space<vmem_shared>>) dst(%dma_wait3A_341 : memref<625x128xf32, #tpu.memory_space<hbm>>)
      tpu.yield
    }) : () -> ()
    "tpu.region"() ({
      %run_scoped3A = tpu.sem_alloc : memref<!tpu.dma_semaphore, #tpu.memory_space<semaphore_mem>>
      %dma_start3A_334 = arith.constant 0 : i32
      %dma_start3A_335 = tpu.memref_slice %arg11[%arg0, %mul3A_2, %dma_start3A_334] : memref<2x10000x16xf32, #tpu.memory_space<hbm>> -> memref<1x625x16xf32, #tpu.memory_space<hbm>>
      %dma_start3A_336 = tpu.memref_squeeze %dma_start3A_335 : memref<1x625x16xf32, #tpu.memory_space<hbm>> -> memref<625x16xf32, #tpu.memory_space<hbm>>
      %dma_start3A_337 = arith.constant 0 : i32
      %dma_start3A_338 = tpu.memref_slice %arg19[%mul3A_2, %dma_start3A_337] : memref<10000x16xf32, #tpu.memory_space<vmem_shared>> -> memref<625x16xf32, #tpu.memory_space<vmem_shared>>
      tpu.enqueue_dma source(%dma_start3A_338 : memref<625x16xf32, #tpu.memory_space<vmem_shared>>) target(%dma_start3A_336 : memref<625x16xf32, #tpu.memory_space<hbm>>) target_semaphore(%run_scoped3A : memref<!tpu.dma_semaphore, #tpu.memory_space<semaphore_mem>>)
      %dma_wait3A_339 = arith.constant 0 : i32
      %dma_wait3A_340 = tpu.memref_slice %arg11[%arg0, %mul3A_2, %dma_wait3A_339] : memref<2x10000x16xf32, #tpu.memory_space<hbm>> -> memref<1x625x16xf32, #tpu.memory_space<hbm>>
      %dma_wait3A_341 = tpu.memref_squeeze %dma_wait3A_340 : memref<1x625x16xf32, #tpu.memory_space<hbm>> -> memref<625x16xf32, #tpu.memory_space<hbm>>
      %dma_wait3A_342 = arith.constant 0 : i32
      %dma_wait3A_343 = tpu.memref_slice %arg19[%mul3A_2, %dma_wait3A_342] : memref<10000x16xf32, #tpu.memory_space<vmem_shared>> -> memref<625x16xf32, #tpu.memory_space<vmem_shared>>
      tpu.wait_dma2 semaphore(%run_scoped3A : memref<!tpu.dma_semaphore, #tpu.memory_space<semaphore_mem>>) src(%dma_wait3A_343 : memref<625x16xf32, #tpu.memory_space<vmem_shared>>) dst(%dma_wait3A_341 : memref<625x16xf32, #tpu.memory_space<hbm>>)
      tpu.yield
    }) : () -> ()
    return
  }
}

module attributes {stable_mosaic.version = 14 : i64} {
  func.func @_t1_body(%arg0: i32, %arg1: memref<1000x5xf32, #tpu.memory_space<vmem>>, %arg2: memref<5x128xf32, #tpu.memory_space<vmem>>, %arg3: memref<1x128xf32, #tpu.memory_space<vmem>>, %arg4: memref<128x128xf32, #tpu.memory_space<vmem>>, %arg5: memref<128x128xf32, #tpu.memory_space<vmem>>, %arg6: memref<1x128xf32, #tpu.memory_space<vmem>>, %arg7: memref<1000x128xf32, #tpu.memory_space<vmem>>, %arg8: memref<1000x128xf32, #tpu.memory_space<vmem>>, %arg9: memref<1000x128xf32, #tpu.memory_space<vmem>>) attributes {dimension_semantics = [#tpu.dimension_semantics<arbitrary>], iteration_bounds = array<i64: 10>, scalar_prefetch = 0 : i64, scratch_operands = 0 : i64, tpu.core_type = #tpu.core_type<tc>, window_params = [{transform_indices = @transform_0, window_bounds = array<i64: 1000, 5>}, {pipeline_mode = #tpu.pipeline_mode<synchronous>, transform_indices = @transform_1, window_bounds = array<i64: 5, 128>}, {pipeline_mode = #tpu.pipeline_mode<synchronous>, transform_indices = @transform_2, window_bounds = array<i64: 1, 128>}, {pipeline_mode = #tpu.pipeline_mode<synchronous>, transform_indices = @transform_3, window_bounds = array<i64: 128, 128>}, {pipeline_mode = #tpu.pipeline_mode<synchronous>, transform_indices = @transform_4, window_bounds = array<i64: 128, 128>}, {pipeline_mode = #tpu.pipeline_mode<synchronous>, transform_indices = @transform_5, window_bounds = array<i64: 1, 128>}, {transform_indices = @transform_6, window_bounds = array<i64: 1000, 128>}, {transform_indices = @transform_7, window_bounds = array<i64: 1000, 128>}, {transform_indices = @transform_8, window_bounds = array<i64: 1000, 128>}]} {
    %get3A = arith.constant 0 : index
    %get3A_0 = arith.constant 0 : index
    %get3A_1 = vector.load %arg1[%get3A, %get3A_0] : memref<1000x5xf32, #tpu.memory_space<vmem>>, vector<1000x5xf32>
    %get3A_2 = arith.constant 0 : index
    %get3A_3 = arith.constant 0 : index
    %get3A_4 = vector.load %arg2[%get3A_2, %get3A_3] : memref<5x128xf32, #tpu.memory_space<vmem>>, vector<5x128xf32>
    %dot_general3A = arith.constant dense<0.000000e+00> : vector<1000x128xf32>
    %dot_general3A_5 = tpu.matmul %get3A_1, %get3A_4, %dot_general3A {dimension_numbers = #tpu.dot_dimension_numbers<[1], [0], [0], [1], [0, 0, 1, 1], [], []>, transpose_lhs_hint = false} : vector<1000x5xf32>, vector<5x128xf32>, vector<1000x128xf32> -> vector<1000x128xf32>
    %get3A_6 = arith.constant 0 : index
    %get3A_7 = arith.constant 0 : index
    %get3A_8 = vector.load %arg3[%get3A_6, %get3A_7] : memref<1x128xf32, #tpu.memory_space<vmem>>, vector<1x128xf32>
    %add3A = vector.broadcast %get3A_8 : vector<1x128xf32> to vector<1000x128xf32>
    %add3A_9 = arith.addf %dot_general3A_5, %add3A : vector<1000x128xf32>
    %swap3A = arith.constant 0 : index
    %swap3A_10 = arith.constant 0 : index
    %swap3A_11 = vector.load %arg7[%swap3A, %swap3A_10] : memref<1000x128xf32, #tpu.memory_space<vmem>>, vector<1000x128xf32>
    tpu.vector_store %arg7[%swap3A, %swap3A_10], %add3A_9 {strides = array<i32>} : memref<1000x128xf32, #tpu.memory_space<vmem>>, vector<1000x128xf32>,
    %get3A_12 = arith.constant 0 : index
    %get3A_13 = arith.constant 0 : index
    %get3A_14 = vector.load %arg4[%get3A_12, %get3A_13] : memref<128x128xf32, #tpu.memory_space<vmem>>, vector<128x128xf32>
    %dot_general3A_15 = arith.constant dense<0.000000e+00> : vector<1000x128xf32>
    %dot_general3A_16 = tpu.matmul %add3A_9, %get3A_14, %dot_general3A_15 {dimension_numbers = #tpu.dot_dimension_numbers<[1], [0], [0], [1], [0, 0, 1, 1], [], []>, transpose_lhs_hint = false} : vector<1000x128xf32>, vector<128x128xf32>, vector<1000x128xf32> -> vector<1000x128xf32>
    %get3A_17 = arith.constant 0 : index
    %get3A_18 = arith.constant 0 : index
    %get3A_19 = vector.load %arg6[%get3A_17, %get3A_18] : memref<1x128xf32, #tpu.memory_space<vmem>>, vector<1x128xf32>
    %add3A_20 = vector.broadcast %get3A_19 : vector<1x128xf32> to vector<1000x128xf32>
    %add3A_21 = arith.addf %dot_general3A_16, %add3A_20 : vector<1000x128xf32>
    %swap3A_22 = arith.constant 0 : index
    %swap3A_23 = arith.constant 0 : index
    %swap3A_24 = vector.load %arg8[%swap3A_22, %swap3A_23] : memref<1000x128xf32, #tpu.memory_space<vmem>>, vector<1000x128xf32>
    tpu.vector_store %arg8[%swap3A_22, %swap3A_23], %add3A_21 {strides = array<i32>} : memref<1000x128xf32, #tpu.memory_space<vmem>>, vector<1000x128xf32>,
    %get3A_25 = arith.constant 0 : index
    %get3A_26 = arith.constant 0 : index
    %get3A_27 = vector.load %arg5[%get3A_25, %get3A_26] : memref<128x128xf32, #tpu.memory_space<vmem>>, vector<128x128xf32>
    %dot_general3A_28 = arith.constant dense<0.000000e+00> : vector<1000x128xf32>
    %dot_general3A_29 = tpu.matmul %add3A_9, %get3A_27, %dot_general3A_28 {dimension_numbers = #tpu.dot_dimension_numbers<[1], [0], [0], [1], [0, 0, 1, 1], [], []>, transpose_lhs_hint = false} : vector<1000x128xf32>, vector<128x128xf32>, vector<1000x128xf32> -> vector<1000x128xf32>
    %swap3A_30 = arith.constant 0 : index
    %swap3A_31 = arith.constant 0 : index
    %swap3A_32 = vector.load %arg9[%swap3A_30, %swap3A_31] : memref<1000x128xf32, #tpu.memory_space<vmem>>, vector<1000x128xf32>
    tpu.vector_store %arg9[%swap3A_30, %swap3A_31], %dot_general3A_29 {strides = array<i32>} : memref<1000x128xf32, #tpu.memory_space<vmem>>, vector<1000x128xf32>,
    return
  }
  func.func @transform_0(%arg0: i32) -> (i32, i32) {
    %c0_i32 = arith.constant 0 : i32
    %c0_i32_0 = arith.constant 0 : i32
    return %arg0, %c0_i32 : i32, i32
  }
  func.func @transform_1(%arg0: i32) -> (i32, i32) {
    %c0_i32 = arith.constant 0 : i32
    %c0_i32_0 = arith.constant 0 : i32
    %c0_i32_1 = arith.constant 0 : i32
    return %c0_i32, %c0_i32_0 : i32, i32
  }
  func.func @transform_2(%arg0: i32) -> (i32, i32) {
    %c0_i32 = arith.constant 0 : i32
    %c0_i32_0 = arith.constant 0 : i32
    %c0_i32_1 = arith.constant 0 : i32
    return %c0_i32, %c0_i32_0 : i32, i32
  }
  func.func @transform_3(%arg0: i32) -> (i32, i32) {
    %c0_i32 = arith.constant 0 : i32
    %c0_i32_0 = arith.constant 0 : i32
    %c0_i32_1 = arith.constant 0 : i32
    return %c0_i32, %c0_i32_0 : i32, i32
  }
  func.func @transform_4(%arg0: i32) -> (i32, i32) {
    %c0_i32 = arith.constant 0 : i32
    %c0_i32_0 = arith.constant 0 : i32
    %c0_i32_1 = arith.constant 0 : i32
    return %c0_i32, %c0_i32_0 : i32, i32
  }
  func.func @transform_5(%arg0: i32) -> (i32, i32) {
    %c0_i32 = arith.constant 0 : i32
    %c0_i32_0 = arith.constant 0 : i32
    %c0_i32_1 = arith.constant 0 : i32
    return %c0_i32, %c0_i32_0 : i32, i32
  }
  func.func @transform_6(%arg0: i32) -> (i32, i32) {
    %c0_i32 = arith.constant 0 : i32
    %c0_i32_0 = arith.constant 0 : i32
    return %arg0, %c0_i32 : i32, i32
  }
  func.func @transform_7(%arg0: i32) -> (i32, i32) {
    %c0_i32 = arith.constant 0 : i32
    %c0_i32_0 = arith.constant 0 : i32
    return %arg0, %c0_i32 : i32, i32
  }
  func.func @transform_8(%arg0: i32) -> (i32, i32) {
    %c0_i32 = arith.constant 0 : i32
    %c0_i32_0 = arith.constant 0 : i32
    return %arg0, %c0_i32 : i32, i32
  }
}

module attributes {stable_mosaic.version = 14 : i64} {
  func.func @_t2_body(%arg0: i32, %arg1: memref<1000x128xf32, #tpu.memory_space<vmem>>, %arg2: memref<2x1000x128xf32, #tpu.memory_space<vmem>>, %arg3: memref<2x1000x16xf32, #tpu.memory_space<vmem>>, %arg4: memref<128x128xf32, #tpu.memory_space<vmem>>, %arg5: memref<1x128xf32, #tpu.memory_space<vmem>>, %arg6: memref<128x128xf32, #tpu.memory_space<vmem>>, %arg7: memref<128x128xf32, #tpu.memory_space<vmem>>, %arg8: memref<1x128xf32, #tpu.memory_space<vmem>>, %arg9: memref<128x128xf32, #tpu.memory_space<vmem>>, %arg10: memref<1x128xf32, #tpu.memory_space<vmem>>, %arg11: memref<128x5xf32, #tpu.memory_space<vmem>>, %arg12: memref<1x5xf32, #tpu.memory_space<vmem>>, %arg13: memref<1000x5xf32, #tpu.memory_space<vmem>>) attributes {dimension_semantics = [#tpu.dimension_semantics<arbitrary>], iteration_bounds = array<i64: 10>, scalar_prefetch = 0 : i64, scratch_operands = 0 : i64, tpu.core_type = #tpu.core_type<tc>, window_params = [{transform_indices = @transform_0, window_bounds = array<i64: 1000, 128>}, {transform_indices = @transform_1, window_bounds = array<i64: 2, 1000, 128>}, {transform_indices = @transform_2, window_bounds = array<i64: 2, 1000, 16>}, {pipeline_mode = #tpu.pipeline_mode<synchronous>, transform_indices = @transform_3, window_bounds = array<i64: 128, 128>}, {pipeline_mode = #tpu.pipeline_mode<synchronous>, transform_indices = @transform_4, window_bounds = array<i64: 1, 128>}, {pipeline_mode = #tpu.pipeline_mode<synchronous>, transform_indices = @transform_5, window_bounds = array<i64: 128, 128>}, {pipeline_mode = #tpu.pipeline_mode<synchronous>, transform_indices = @transform_6, window_bounds = array<i64: 128, 128>}, {pipeline_mode = #tpu.pipeline_mode<synchronous>, transform_indices = @transform_7, window_bounds = array<i64: 1, 128>}, {pipeline_mode = #tpu.pipeline_mode<synchronous>, transform_indices = @transform_8, window_bounds = array<i64: 128, 128>}, {pipeline_mode = #tpu.pipeline_mode<synchronous>, transform_indices = @transform_9, window_bounds = array<i64: 1, 128>}, {pipeline_mode = #tpu.pipeline_mode<synchronous>, transform_indices = @transform_10, window_bounds = array<i64: 128, 5>}, {pipeline_mode = #tpu.pipeline_mode<synchronous>, transform_indices = @transform_11, window_bounds = array<i64: 1, 5>}, {transform_indices = @transform_12, window_bounds = array<i64: 1000, 5>}]} {
    %get3A = arith.constant 0 : index
    %get3A_0 = arith.constant 0 : index
    %get3A_1 = vector.load %arg1[%get3A, %get3A_0] : memref<1000x128xf32, #tpu.memory_space<vmem>>, vector<1000x128xf32>
    %get3A_2 = arith.constant 0 : index
    %get3A_3 = arith.constant 0 : index
    %get3A_4 = arith.constant 0 : index
    %get3A_5 = vector.load %arg2[%get3A_2, %get3A_3, %get3A_4] : memref<2x1000x128xf32, #tpu.memory_space<vmem>>, vector<1x1000x128xf32>
    %get3A_6 = vector.shape_cast %get3A_5 : vector<1x1000x128xf32> to vector<1000x128xf32>
    %get3A_7 = arith.constant 1 : index
    %get3A_8 = arith.constant 0 : index
    %get3A_9 = arith.constant 0 : index
    %get3A_10 = vector.load %arg2[%get3A_7, %get3A_8, %get3A_9] : memref<2x1000x128xf32, #tpu.memory_space<vmem>>, vector<1x1000x128xf32>
    %get3A_11 = vector.shape_cast %get3A_10 : vector<1x1000x128xf32> to vector<1000x128xf32>
    %add3A = arith.addf %get3A_6, %get3A_11 : vector<1000x128xf32>
    %get3A_12 = arith.constant 0 : index
    %get3A_13 = arith.constant 0 : index
    %get3A_14 = arith.constant 0 : index
    %get3A_15 = vector.load %arg3[%get3A_12, %get3A_13, %get3A_14] : memref<2x1000x16xf32, #tpu.memory_space<vmem>>, vector<1x1000x1xf32>
    %get3A_16 = vector.shape_cast %get3A_15 : vector<1x1000x1xf32> to vector<1000x1xf32>
    %get3A_17 = arith.constant 1 : index
    %get3A_18 = arith.constant 0 : index
    %get3A_19 = arith.constant 0 : index
    %get3A_20 = vector.load %arg3[%get3A_17, %get3A_18, %get3A_19] : memref<2x1000x16xf32, #tpu.memory_space<vmem>>, vector<1x1000x1xf32>
    %get3A_21 = vector.shape_cast %get3A_20 : vector<1x1000x1xf32> to vector<1000x1xf32>
    %add3A_22 = arith.addf %get3A_16, %get3A_21 : vector<1000x1xf32>
    %get3A_23 = arith.constant 0 : index
    %get3A_24 = arith.constant 0 : index
    %get3A_25 = vector.load %arg4[%get3A_23, %get3A_24] : memref<128x128xf32, #tpu.memory_space<vmem>>, vector<128x128xf32>
    %dot_general3A = arith.constant dense<0.000000e+00> : vector<1000x128xf32>
    %dot_general3A_26 = tpu.matmul %add3A, %get3A_25, %dot_general3A {dimension_numbers = #tpu.dot_dimension_numbers<[1], [0], [0], [1], [0, 0, 1, 1], [], []>, transpose_lhs_hint = false} : vector<1000x128xf32>, vector<128x128xf32>, vector<1000x128xf32> -> vector<1000x128xf32>
    %get3A_27 = arith.constant 0 : index
    %get3A_28 = arith.constant 0 : index
    %get3A_29 = vector.load %arg5[%get3A_27, %get3A_28] : memref<1x128xf32, #tpu.memory_space<vmem>>, vector<1x128xf32>
    %mul3A = vector.broadcast %add3A_22 : vector<1000x1xf32> to vector<1000x128xf32>
    %mul3A_30 = vector.broadcast %get3A_29 : vector<1x128xf32> to vector<1000x128xf32>
    %mul3A_31 = arith.mulf %mul3A, %mul3A_30 : vector<1000x128xf32>
    %add3A_32 = arith.addf %dot_general3A_26, %mul3A_31 : vector<1000x128xf32>
    %get3A_33 = arith.constant 0 : index
    %get3A_34 = arith.constant 0 : index
    %get3A_35 = vector.load %arg6[%get3A_33, %get3A_34] : memref<128x128xf32, #tpu.memory_space<vmem>>, vector<128x128xf32>
    %dot_general3A_36 = arith.constant dense<0.000000e+00> : vector<1000x128xf32>
    %dot_general3A_37 = tpu.matmul %get3A_1, %get3A_35, %dot_general3A_36 {dimension_numbers = #tpu.dot_dimension_numbers<[1], [0], [0], [1], [0, 0, 1, 1], [], []>, transpose_lhs_hint = false} : vector<1000x128xf32>, vector<128x128xf32>, vector<1000x128xf32> -> vector<1000x128xf32>
    %get3A_38 = arith.constant 0 : index
    %get3A_39 = arith.constant 0 : index
    %get3A_40 = vector.load %arg7[%get3A_38, %get3A_39] : memref<128x128xf32, #tpu.memory_space<vmem>>, vector<128x128xf32>
    %dot_general3A_41 = arith.constant dense<0.000000e+00> : vector<1000x128xf32>
    %dot_general3A_42 = tpu.matmul %add3A_32, %get3A_40, %dot_general3A_41 {dimension_numbers = #tpu.dot_dimension_numbers<[1], [0], [0], [1], [0, 0, 1, 1], [], []>, transpose_lhs_hint = false} : vector<1000x128xf32>, vector<128x128xf32>, vector<1000x128xf32> -> vector<1000x128xf32>
    %add3A_43 = arith.addf %dot_general3A_37, %dot_general3A_42 : vector<1000x128xf32>
    %get3A_44 = arith.constant 0 : index
    %get3A_45 = arith.constant 0 : index
    %get3A_46 = vector.load %arg8[%get3A_44, %get3A_45] : memref<1x128xf32, #tpu.memory_space<vmem>>, vector<1x128xf32>
    %add3A_47 = vector.broadcast %get3A_46 : vector<1x128xf32> to vector<1000x128xf32>
    %add3A_48 = arith.addf %add3A_43, %add3A_47 : vector<1000x128xf32>
    %max3A = arith.constant 0.000000e+00 : f32
    %max3A_49 = vector.broadcast %max3A : f32 to vector<1000x128xf32>
    %max3A_50 = arith.maximumf %add3A_48, %max3A_49 : vector<1000x128xf32>
    %get3A_51 = arith.constant 0 : index
    %get3A_52 = arith.constant 0 : index
    %get3A_53 = vector.load %arg9[%get3A_51, %get3A_52] : memref<128x128xf32, #tpu.memory_space<vmem>>, vector<128x128xf32>
    %dot_general3A_54 = arith.constant dense<0.000000e+00> : vector<1000x128xf32>
    %dot_general3A_55 = tpu.matmul %max3A_50, %get3A_53, %dot_general3A_54 {dimension_numbers = #tpu.dot_dimension_numbers<[1], [0], [0], [1], [0, 0, 1, 1], [], []>, transpose_lhs_hint = false} : vector<1000x128xf32>, vector<128x128xf32>, vector<1000x128xf32> -> vector<1000x128xf32>
    %get3A_56 = arith.constant 0 : index
    %get3A_57 = arith.constant 0 : index
    %get3A_58 = vector.load %arg10[%get3A_56, %get3A_57] : memref<1x128xf32, #tpu.memory_space<vmem>>, vector<1x128xf32>
    %add3A_59 = vector.broadcast %get3A_58 : vector<1x128xf32> to vector<1000x128xf32>
    %add3A_60 = arith.addf %dot_general3A_55, %add3A_59 : vector<1000x128xf32>
    %add3A_61 = arith.addf %get3A_1, %add3A_60 : vector<1000x128xf32>
    %get3A_62 = arith.constant 0 : index
    %get3A_63 = arith.constant 0 : index
    %get3A_64 = vector.load %arg11[%get3A_62, %get3A_63] : memref<128x5xf32, #tpu.memory_space<vmem>>, vector<128x5xf32>
    %dot_general3A_65 = arith.constant dense<0.000000e+00> : vector<1000x5xf32>
    %dot_general3A_66 = tpu.matmul %add3A_61, %get3A_64, %dot_general3A_65 {dimension_numbers = #tpu.dot_dimension_numbers<[1], [0], [0], [1], [0, 0, 1, 1], [], []>, transpose_lhs_hint = false} : vector<1000x128xf32>, vector<128x5xf32>, vector<1000x5xf32> -> vector<1000x5xf32>
    %get3A_67 = arith.constant 0 : index
    %get3A_68 = arith.constant 0 : index
    %get3A_69 = vector.load %arg12[%get3A_67, %get3A_68] : memref<1x5xf32, #tpu.memory_space<vmem>>, vector<1x5xf32>
    %add3A_70 = vector.broadcast %get3A_69 : vector<1x5xf32> to vector<1000x5xf32>
    %add3A_71 = arith.addf %dot_general3A_66, %add3A_70 : vector<1000x5xf32>
    %swap3A = arith.constant 0 : index
    %swap3A_72 = arith.constant 0 : index
    %swap3A_73 = vector.load %arg13[%swap3A, %swap3A_72] : memref<1000x5xf32, #tpu.memory_space<vmem>>, vector<1000x5xf32>
    tpu.vector_store %arg13[%swap3A, %swap3A_72], %add3A_71 {strides = array<i32>} : memref<1000x5xf32, #tpu.memory_space<vmem>>, vector<1000x5xf32>,
    return
  }
  func.func @transform_0(%arg0: i32) -> (i32, i32) {
    %c0_i32 = arith.constant 0 : i32
    %c0_i32_0 = arith.constant 0 : i32
    return %arg0, %c0_i32 : i32, i32
  }
  func.func @transform_1(%arg0: i32) -> (i32, i32, i32) {
    %c0_i32 = arith.constant 0 : i32
    %c0_i32_0 = arith.constant 0 : i32
    %c0_i32_1 = arith.constant 0 : i32
    return %c0_i32, %arg0, %c0_i32_0 : i32, i32, i32
  }
  func.func @transform_2(%arg0: i32) -> (i32, i32, i32) {
    %c0_i32 = arith.constant 0 : i32
    %c0_i32_0 = arith.constant 0 : i32
    %c0_i32_1 = arith.constant 0 : i32
    return %c0_i32, %arg0, %c0_i32_0 : i32, i32, i32
  }
  func.func @transform_3(%arg0: i32) -> (i32, i32) {
    %c0_i32 = arith.constant 0 : i32
    %c0_i32_0 = arith.constant 0 : i32
    %c0_i32_1 = arith.constant 0 : i32
    return %c0_i32, %c0_i32_0 : i32, i32
  }
  func.func @transform_4(%arg0: i32) -> (i32, i32) {
    %c0_i32 = arith.constant 0 : i32
    %c0_i32_0 = arith.constant 0 : i32
    %c0_i32_1 = arith.constant 0 : i32
    return %c0_i32, %c0_i32_0 : i32, i32
  }
  func.func @transform_5(%arg0: i32) -> (i32, i32) {
    %c0_i32 = arith.constant 0 : i32
    %c0_i32_0 = arith.constant 0 : i32
    %c0_i32_1 = arith.constant 0 : i32
    return %c0_i32, %c0_i32_0 : i32, i32
  }
  func.func @transform_6(%arg0: i32) -> (i32, i32) {
    %c0_i32 = arith.constant 0 : i32
    %c0_i32_0 = arith.constant 0 : i32
    %c0_i32_1 = arith.constant 0 : i32
    return %c0_i32, %c0_i32_0 : i32, i32
  }
  func.func @transform_7(%arg0: i32) -> (i32, i32) {
    %c0_i32 = arith.constant 0 : i32
    %c0_i32_0 = arith.constant 0 : i32
    %c0_i32_1 = arith.constant 0 : i32
    return %c0_i32, %c0_i32_0 : i32, i32
  }
  func.func @transform_8(%arg0: i32) -> (i32, i32) {
    %c0_i32 = arith.constant 0 : i32
    %c0_i32_0 = arith.constant 0 : i32
    %c0_i32_1 = arith.constant 0 : i32
    return %c0_i32, %c0_i32_0 : i32, i32
  }
  func.func @transform_9(%arg0: i32) -> (i32, i32) {
    %c0_i32 = arith.constant 0 : i32
    %c0_i32_0 = arith.constant 0 : i32
    %c0_i32_1 = arith.constant 0 : i32
    return %c0_i32, %c0_i32_0 : i32, i32
  }
  func.func @transform_10(%arg0: i32) -> (i32, i32) {
    %c0_i32 = arith.constant 0 : i32
    %c0_i32_0 = arith.constant 0 : i32
    %c0_i32_1 = arith.constant 0 : i32
    return %c0_i32, %c0_i32_0 : i32, i32
  }
  func.func @transform_11(%arg0: i32) -> (i32, i32) {
    %c0_i32 = arith.constant 0 : i32
    %c0_i32_0 = arith.constant 0 : i32
    %c0_i32_1 = arith.constant 0 : i32
    return %c0_i32, %c0_i32_0 : i32, i32
  }
  func.func @transform_12(%arg0: i32) -> (i32, i32) {
    %c0_i32 = arith.constant 0 : i32
    %c0_i32_0 = arith.constant 0 : i32
    return %arg0, %c0_i32 : i32, i32
  }
}

</mosaic_0001>

<sc_bundles>
// kernel: kernel.5.cloned.1.call-start
scs
__scs_entry_jumppad:
0x0: {  	(pc) =	sbr.rel $0x88, $3  }
0x1: {  	(tag) =	ssettag $0x0;
	lr =	simm.s32 $0x1  }
0x2: {  	[smem:$0x3F92] =	sst lr;
	_ =	strace $0xD0000000  }
0x3: {  	_ = 	snop  }
0x4: {  	_ = 	snop  }
0x5: {  	_ = 	snop  }
0x6: {  	_ = 	snop  }
0x7: {  	_ = 	snop  }
__scs_overlays_trampoline_lowered:
0x8: {  	[smem:$0x3FA1] =	sst s0  }
0x9: {  	[smem:$0x3FA2] =	sst s1  }
0xa: {  	[smem:$0x3FA3] =	sst s2  }
0xb: {  	[smem:$0x3FA4] =	sst s3  }
0xc: {  	[smem:$0x3FA5] =	sst s4  }
0xd: {  	[smem:$0x3FA6] =	sst s5  }
0xe: {  	[smem:$0x3FA7] =	sst s6  }
0xf: {  	[smem:$0x3FA8] =	sst s7  }
0x10: {  	[smem:$0x3FA9] =	sst s8  }
0x11: {  	[smem:$0x3FAA] =	sst s9;
	s0 =	simm.s32 @!p0 $0x0  }
0x12: {  	s1 =	sld [smem:$0x3F90];
	s0 =	simm.s32 @p0 $0x1  }
0x13: {  	[smem:$0x3FAB] =	sst s0;
	s0 =	simm.s32 @!p1 $0x0  }
0x14: {  	s2 =	sld [smem:$0x3F8F];
	s0 =	simm.s32 @p1 $0x1  }
0x15: {  	[smem:$0x3FAC] =	sst s0;
	s0 =	simm.s32 @!p2 $0x0  }
0x16: {  	s3 =	sld [smem:$0x3FDB];
	s0 =	simm.s32 @p2 $0x1  }
0x17: {  	s4 =	simm.s32 $0x1BF5;
	[smem:$0x3FAE] =	sst s0  }
0x18: {  	s0 =	sld [smem:$0x3F91];
	_ =	swait.ge [sflag:s4], $0x0  }
0x19: {  	s7 =	sld [smem:$0x3F92]  }
0x1a: {  	s8 =	sadd.s32 $0xFFFFE003, lr  }
0x1b: {  	s9 =	sadd.s32 $0xFFFFFEF7, lr;
	s5 =	simm.s32 $0xFFFFFFFF;
	p2 =	slt.u32 s8, $0xFFFFF086  }
0x1c: {  	p1 =	slt.u32 s9, $0xF7A;
	s5 =	simm.s32 @!p2 $0x0  }
0x1d: {  	s5 =	simm.s32 @p1 $0x1;
	p0 =	seq.s32 s7, s2  }
0x1e: {  	s7 =	smul.u32 @!p0 $0xF7A, s2;
	p2 =	seq.s32 @!p0 s5, $0x0  }
0x1f: {  	s9 =	smul.u32 $0xF7A, s1;
	s8 =	simm.s32 @!p0 $0x1BF5;
	p2 =	por !p2, p0  }
0x20: {  	[sflag:s8] =	ssyncset.s32 @!p0 $0xFFFFF086;
	s6 =	sadd.s32 @!p0 s3, s7;
	s7 =	simm.s32 @!p0 $0x108  }
0x21: {  	s3 =	sadd.s32 s3, s9;
	s6 =	sadd.s32 @!p0 $0x88, s6;
	s7 =	simm.s32 @p2 $0x1082  }
0x22: {  	[simem:s7], [sflag:s8] =	dma.local @!p0 [hbm:s6], $0xF7A  }
0x23: {  	s9 =	sor.u32 $0xD0000000, s2;
	s6 =	simm.s32 $0x108;
	_ =	swait.ge @!p0 [sflag:s8], $0x0  }
0x24: {  	s3 =	sadd.s32 $0x88, s3;
	s6 =	simm.s32 @!p1 $0x1082;
	[sflag:s4] =	ssyncset.s32 $0xFFFFF086  }
0x25: {  	[simem:s6], [sflag:s4] =	dma.local [hbm:s3], $0xF7A  }
0x26: {  	[smem:$0x3F92] =	sst s1;
	(tag) =	ssettag s2;
	_ =	strace s9  }
0x27: {  	s1 =	sld [smem:$0x3FA2]  }
0x28: {  	s2 =	sld [smem:$0x3FA3]  }
0x29: {  	s4 =	sld [smem:$0x3FA5]  }
0x2a: {  	p0 =	seq.s32 s5, $0x0;
	s5 =	sld [smem:$0x3FA6]  }
0x2b: {  	s6 =	sld [smem:$0x3FA7]  }
0x2c: {  	s7 =	sld [smem:$0x3FA8]  }
0x2d: {  	s3 =	simm.s32 $0x108;
	s8 =	sld [smem:$0x3FA9]  }
0x2e: {  	s3 =	simm.s32 @!p0 $0x1082;
	s9 =	sld [smem:$0x3FAA]  }
0x2f: {  	lr =	sadd.s32 s0, s3;
	s0 =	sld [smem:$0x3FA1]  }
0x30: {  	s3 =	sld [smem:$0x3FA4]  }
0x31: {  	[smem:$0x3FAD] =	sst s10  }
0x32: {  	s10 =	sld [smem:$0x3FAB];
	_ =	sdelay $0x3  }
0x33: {  	p0 =	seq.s32 s10, $0x1;
	s10 =	sld [smem:$0x3FAD];
	_ =	sdelay $0x3  }
0x34: {  	[smem:$0x3FAD] =	sst s10  }
0x35: {  	s10 =	sld [smem:$0x3FAC];
	_ =	sdelay $0x3  }
0x36: {  	p1 =	seq.s32 s10, $0x1;
	s10 =	sld [smem:$0x3FAD];
	_ =	sdelay $0x3  }
0x37: {  	[smem:$0x3FAD] =	sst s10  }
0x38: {  	s10 =	sld [smem:$0x3FAE]  }
0x39: {  	_ = 	snop;
	(pc) =	sbr.ind lr, $3  }
0x3a: {  	_ = 	snop  }
0x3b: {  	_ = 	snop  }
0x3c: {  	p2 =	seq.s32 s10, $0x1;
	s10 =	sld [smem:$0x3FAD]  }
0x3d: {  	_ =	shalt  }
0x3e: {  	_ =	shalt  }
0x3f: {  	_ =	shalt  }
0x40: {  	_ =	shalt  }
0x41: {  	_ =	shalt  }
0x42: {  	_ =	shalt  }
0x43: {  	_ =	shalt  }
0x44: {  	_ =	shalt  }
0x45: {  	_ =	shalt  }
0x46: {  	_ =	shalt  }
0x47: {  	_ =	shalt  }
0x48: {  	_ =	shalt  }
0x49: {  	_ =	shalt  }
0x4a: {  	_ =	shalt  }
0x4b: {  	_ =	shalt  }
0x4c: {  	_ =	shalt  }
0x4d: {  	_ =	shalt  }
0x4e: {  	_ =	shalt  }
0x4f: {  	_ =	shalt  }
0x50: {  	_ =	shalt  }
0x51: {  	_ =	shalt  }
0x52: {  	_ =	shalt  }
0x53: {  	_ =	shalt  }
0x54: {  	_ =	shalt  }
0x55: {  	_ =	shalt  }
0x56: {  	_ =	shalt  }
0x57: {  	_ =	shalt  }
0x58: {  	_ =	shalt  }
0x59: {  	_ =	shalt  }
0x5a: {  	_ =	shalt  }
0x5b: {  	_ =	shalt  }
0x5c: {  	_ =	shalt  }
0x5d: {  	_ =	shalt  }
0x5e: {  	_ =	shalt  }
0x5f: {  	_ =	shalt  }
0x60: {  	_ =	shalt  }
0x61: {  	_ =	shalt  }
0x62: {  	_ =	shalt  }
0x63: {  	_ =	shalt  }
0x64: {  	_ =	shalt  }
0x65: {  	_ =	shalt  }
0x66: {  	_ =	shalt  }
0x67: {  	_ =	shalt  }
0x68: {  	_ =	shalt  }
0x69: {  	_ =	shalt  }
0x6a: {  	_ =	shalt  }
0x6b: {  	_ =	shalt  }
0x6c: {  	_ =	shalt  }
0x6d: {  	_ =	shalt  }
0x6e: {  	_ =	shalt  }
0x6f: {  	_ =	shalt  }
0x70: {  	_ =	shalt  }
0x71: {  	_ =	shalt  }
0x72: {  	_ =	shalt  }
0x73: {  	_ =	shalt  }
0x74: {  	_ =	shalt  }
0x75: {  	_ =	shalt  }
0x76: {  	_ =	shalt  }
0x77: {  	_ =	shalt  }
0x78: {  	_ =	shalt  }
0x79: {  	_ =	shalt  }
0x7a: {  	_ =	shalt  }
0x7b: {  	_ =	shalt  }
0x7c: {  	_ =	shalt  }
0x7d: {  	_ =	shalt  }
0x7e: {  	_ =	shalt  }
0x7f: {  	_ =	shalt  }
0x80: {  	_ =	shalt  }
0x81: {  	_ =	shalt  }
0x82: {  	_ =	shalt  }
0x83: {  	_ =	shalt  }
0x84: {  	_ =	shalt  }
0x85: {  	_ =	shalt  }
0x86: {  	_ =	shalt  }
0x87: {  	_ =	shalt  }
.Lfunc_end0:
.L_simem_size_0:
called_computation_lowered:
.L_overlay_start_0:
0x88: {  	s2 =	sld [smem:$0x3FD9]  }
0x89: {  	s3 =	sld [smem:$0x3FFE];
	_ =	sdelay $0x1  }
0x8a: {  	s1 =	srdreg.scid  }
0x8b: {  	s0 =	sand.u32 $0x1, s1  }
0x8c: {  	s17 =	sshll.u32 s0, $0xA;
	s2 =	sadd.s32 s3, s2  }
0x8d: {  	s2 =	sadd.s32 s2, s17  }
0x8e: {  	[smem:$0x3FB9] =	sst s2  }
0x8f: {  	_ = 	snop  }
0x90: {  	s2 =	sld [smem:$0x3FD0];
	(tm) =	ssettm $0x1  }
0x91: {  	s18 =	sld [smem:$0x3FFB];
	_ =	sdelay $0x3  }
0x92: {  	_ =	strace s18  }
0x93: {  	s3 =	sld [smem:$0x3FFC];
	_ =	sdelay $0x3  }
0x94: {  	_ =	strace s3  }
0x95: {  	s3 =	sld [smem:$0x3FFD];
	_ =	sdelay $0x3  }
0x96: {  	_ =	strace s3  }
0x97: {  	_ =	strace $0x8FFFFFFF  }
0x98: {  	s19 =	sld [smem:$0x3FDB];
	_ =	sdelay $0x1  }
0x99: {  	s4 =	simm.s32 $_scs_section_size  }
0x9a: {  	s5 =	simm.s32 $_size__tile_overlayer_lowered;
	s6 =	simm.s32 $_tile_overlayer_lowered  }
0x9b: {  	s22 =	simm.s32 $0x1BFF;
	s21 =	sshll.u32 s6, $0x1;
	s3 =	sadd.s32 s4, s19  }
0x9c: {  	s7 =	simm.s32 $0x0;
	s20 =	sshll.u32 s5, $0x1;
	s5 =	sadd.s32 s21, s3  }
0x9d: {  	[timem:s7], [sflag:s22] =	dma.local [hbm:s5], s20  }
0x9e: {  	_ =	swait.ge [sflag:s22], s20  }
0x9f: {  	s4 =	ssub.s32 $0x0, s20;
	[sflag:s22] =	ssyncset.done $0x0  }
0xa0: {  	[sflag:s22] =	ssyncadd.s32 s4;
	_ =	sdelay $0x1  }
0xa1: {  	s23 =	simm.s32 $0x1B8B  }
0xa2: {  	_ =	swait.ge [sflag:s23], $0x1  }
0xa3: {  	[sflag:s23] =	ssyncset.done $0x0  }
0xa4: {  	s25 =	simm.s32 $0x1B8E;
	s24 =	sld [smem:$0x3FFE];
	[sflag:s23] =	ssyncadd.s32 $0xFFFFFFFF  }
0xa5: {  	s26 =	simm.s32 $execute0_lowered;
	[smem:$0x3FD2] =	sst s25  }
0xa6: {  	s5 =	sshll.u32 s26, $0x1;
	_ =	strace $0x80000046;
	[dreg:$0x1] =	wrdreg $0xFFFFFFFF  }
0xa7: {  	s28 =	simm.s32 $_size_execute0_lowered;
	s3 =	sadd.s32 s3, s5;
	[dreg:$0x0] =	wrdreg $0x0  }
0xa8: {  	s5 =	sshll.u32 s28, $0x1;
	[dreg:$0x2] =	wrdreg s3  }
0xa9: {  	[dreg:$0x3] =	wrdreg s5  }
0xaa: {  	[dreg:$0x4] =	wrdreg $0xC0  }
0xab: {  	_ =	task [dreg:s7], $0x5FFFF  }
0xac: {  	[dreg:$0x1] =	wrdreg $0xFFFFFFFF  }
0xad: {  	[dreg:$0x0] =	wrdreg $0x60  }
0xae: {  	[dreg:$0x2] =	wrdreg s24  }
0xaf: {  	[dreg:$0x3] =	wrdreg s2  }
0xb0: {  	[dreg:$0x4] =	wrdreg $0x7F200  }
0xb1: {  	[dreg:$0x5] =	wrdreg $0x1B7A00  }
0xb2: {  	[dreg:$0x6] =	wrdreg $0x9  }
0xb3: {  	_ =	task.clear_ibuf [dreg:s7], $0x7FFFF;
	_ =	strace $0x90000046  }
0xb4: {  	s29 =	simm.s32 $0x9;
	_ =	strace $0x80000048  }
0xb5: {  	_ =	swait.ge [sflag:s29], $0x1  }
0xb6: {  	[sflag:s29] =	ssyncadd.s32 $0xFFFFFFFF  }
0xb7: {  	_ =	strace $0x90000048  }
0xb8: {  	_ =	sfence  }
0xb9: {  	s30 =	sld [smem:$0x0];
	_ =	sdelay $0x2  }
0xba: {  	s31 =	sshll.u32 s1, $0xD;
	s1 =	sshrl.u32 s1, $0x2  }
0xbb: {  	s3 =	sand.u32 $0x4000, s31;
	s1 =	sadd.s32 s1, s30  }
0xbc: {  	s0 =	sor.u32 s3, s0;
	s1 =	sshll.u32 s1, $0x11  }
0xbd: {  	s0 =	sor.u32 s1, s0  }
0xbe: {  	s0 =	sadd.s32 $0x8F2B, s0  }
0xbf: {  	[sflag:s0] =	ssyncadd.remote.s32 $0x1  }
0xc0: {  	_ =	sfence.sel $0xFFFF  }
0xc1: {  	[dreg:$0x0] =	wrdreg $0xFFFFFFFF;
	(pc) =	sbr.abs _section_cstart, $3  }
0xc2: {  	[dreg:$0x1] =	wrdreg $0xFFFFFFFF  }
0xc3: {  	_ =	task.clear_ibuf [dreg:s7], $0x2FFFF;
	_ =	strace $0x9FFFFFFF  }
0xc4: {  	(tm) =	ssettm $0x7FFFFFFF  }
0xc5: {  	_ =	shalt  }
tec
execute0_lowered:
.L_overlay_start_1:
0x0: {  	(tag) =	ssettag $0x1  }
0x1: {  	s0 =	rddreg [dreg:$0x0]  }
0x2: {  	s1 =	rddreg [dreg:$0x1]  }
0x3: {  	s3 =	rddreg [dreg:$0x2]  }
0x4: {  	s4 =	rddreg [dreg:$0x3];
	s17 =	stileid.u32  }
0x5: {  	s2 =	srdreg.scid;
	s6 =	simm.s32 $0x0;
	s5 =	smul.u32 $0x13880, s17  }
0x6: {  	s2 =	sand.u32 $0x1, s2;
	[smem:$0x7FF] =	sst s6;
	s12 =	smul.u32 $0x2710, s17  }
0x7: {  	s6 =	sadd.s32 $0x33600, s0;
	s7 =	sadd.s32 $0x5A800, s0;
	s8 =	sadd.s32 $0x2600, s0  }
0x8: {  	s9 =	sadd.s32 $0x16000, s0;
	s11 =	sadd.s32 $0x2400, s0;
	s14 =	sadd.s32 $0x81C00, s0  }
0x9: {  	s15 =	sshll.u32 s17, $0x1;
	s16 =	smul.u32 $0x271, s17;
	s22 =	sshll.u32 s17, $0x6  }
0xa: {  	s10 =	smul.u32 $0x138800, s2;
	_ =	strace $0x80000047;
	[dreg:$0x5] =	wrdreg s11  }
0xb: {  	s13 =	smul.u32 $0x27100, s2;
	s11 =	sadd.s32 $0x81A00, s0;
	[dreg:$0x6] =	wrdreg s14  }
0xc: {  	s20 =	ssub.s32 $0x2, s2;
	s2 =	sor.u32 s2, s15;
	s14 =	sor.u32 $0x1C0B, s22  }
0xd: {  	s21 =	sshrl.u32 s20, $0x1;
	s23 =	sadd.s32 $0x50, s16;
	s25 =	sadd.s32 $0xA0, s16  }
0xe: {  	s18 =	sadd.s32 $0xF0, s16;
	s29 =	sadd.s32 $0x190, s16;
	s31 =	smul.u32 $0x4E2, s2  }
0xf: {  	s10 =	sadd.s32 s5, s10;
	s13 =	sadd.s32 s12, s13;
	s5 =	sadd.s32 s5, s3  }
0x10: {  	s12 =	sadd.s32 s12, s4;
	s24 =	sshll.u32 s23, $0x7;
	s26 =	sshll.u32 s25, $0x7  }
0x11: {  	s15 =	sshll.u32 s25, $0x4;
	s19 =	sshll.u32 s18, $0x7;
	s18 =	sshll.u32 s18, $0x4  }
0x12: {  	s10 =	sshrl.u32 s10, $0x3;
	s13 =	sshrl.u32 s13, $0x3;
	[dreg:$0x7] =	wrdreg s5  }
0x13: {  	[dreg:$0x8] =	wrdreg s12;
	s5 =	sshll.u32 s23, $0x4;
	s12 =	sadd.s32 s24, s3  }
0x14: {  	s17 =	sadd.s32 s26, s3;
	s15 =	sadd.s32 s15, s4;
	s23 =	sshll.u32 s29, $0x7  }
0x15: {  	s24 =	sadd.s32 $0x1E0, s16;
	s10 =	sadd.s32 s10, s0;
	s0 =	sadd.s32 s13, s0  }
0x16: {  	s13 =	ssub.s32 s20, s21;
	s5 =	sadd.s32 s5, s4;
	s20 =	sadd.s32 $0x140, s16  }
0x17: {  	s21 =	sadd.s32 s18, s4;
	s18 =	sshll.u32 s29, $0x4;
	s23 =	sadd.s32 s23, s3  }
0x18: {  	s30 =	sshll.u32 s24, $0x7;
	s16 =	sadd.s32 $0x230, s16;
	s15 =	sshrl.u32 s15, $0x3  }
0x19: {  	s26 =	sadd.s32 s30, s3;
	s30 =	sadd.s32 s8, s31;
	[dreg:$0x13] =	wrdreg s15  }
0x1a: {  	s25 =	sadd.s32 s18, s4;
	s18 =	sadd.s32 s9, s31;
	[dreg:$0x9] =	wrdreg s30  }
0x1b: {  	s29 =	smul.u32 $0x2710, s2;
	s31 =	sadd.s32 $0x8BC00, s10;
	[dreg:$0xa] =	wrdreg s18  }
0x1c: {  	s28 =	sshll.u32 s20, $0x7;
	s0 =	sadd.s32 $0x81E00, s0;
	[dreg:$0xd] =	wrdreg s31  }
0x1d: {  	s10 =	sshrl.u32 s12, $0x3;
	s12 =	sshrl.u32 s5, $0x3;
	[dreg:$0xe] =	wrdreg s0  }
0x1e: {  	s23 =	sshrl.u32 s23, $0x3;
	s22 =	sadd.s32 s28, s3;
	[dreg:$0x10] =	wrdreg s10  }
0x1f: {  	s28 =	sshll.u32 s16, $0x7;
	s16 =	sshll.u32 s16, $0x4;
	[dreg:$0x11] =	wrdreg s12  }
0x20: {  	s29 =	sadd.s32 $0x28, s29;
	[dreg:$0x18] =	wrdreg s23;
	s25 =	sshrl.u32 s25, $0x3  }
0x21: {  	s26 =	sshrl.u32 s26, $0x3;
	s30 =	sshrl.u32 s29, $0x3;
	[dreg:$0x19] =	wrdreg s25  }
0x22: {  	s18 =	smul.u32 $0xFA, s2;
	[dreg:$0x1a] =	wrdreg s26;
	s29 =	sadd.s32 s8, s30  }
0x23: {  	s28 =	sadd.s32 s28, s3;
	s2 =	sadd.s32 s9, s30;
	[dreg:$0xb] =	wrdreg s29  }
0x24: {  	s16 =	sadd.s32 s16, s4;
	s30 =	sshrl.u32 s28, $0x3;
	[dreg:$0xc] =	wrdreg s2  }
0x25: {  	s31 =	sshrl.u32 s16, $0x3;
	[dreg:$0x1c] =	wrdreg s30  }
0x26: {  	s2 =	smax.u32 s13, $0x1;
	[dreg:$0x1d] =	wrdreg s31  }
0x27: {  	s19 =	sadd.s32 s19, s3;
	s13 =	sshrl.u32 s17, $0x3;
	[dreg:$0xf] =	wrdreg s2  }
0x28: {  	s24 =	sshll.u32 s24, $0x4;
	s17 =	sshrl.u32 s19, $0x3;
	[dreg:$0x12] =	wrdreg s13  }
0x29: {  	s20 =	sshll.u32 s20, $0x4;
	s19 =	sshrl.u32 s21, $0x3;
	[dreg:$0x14] =	wrdreg s17  }
0x2a: {  	s20 =	sadd.s32 s20, s4;
	s21 =	sshrl.u32 s22, $0x3;
	[dreg:$0x15] =	wrdreg s19  }
0x2b: {  	s24 =	sadd.s32 s24, s4;
	s22 =	sshrl.u32 s20, $0x3;
	[dreg:$0x16] =	wrdreg s21  }
0x2c: {  	s26 =	simm.s32 $0x0;
	s29 =	sshrl.u32 s24, $0x3;
	[dreg:$0x17] =	wrdreg s22  }
0x2d: {  	v0 =	vimm.s32 $0x0;
	vm0 =	vcmask $0x300;
	s20 =	simm.s32 $0x28;
	[dreg:$0x1b] =	wrdreg s29;
	s17 =	simm.s32 $0xB  }
0x2e: {  	v0 =	vsel vm0, $0x3, v0;
	s19 =	simm.s32 $0x7CA0;
	s21 =	simm.s32 $0x4E200;
	s22 =	simm.s32 $0x140  }
.LBB2_1:
0x2f: {  	s0 =	rddreg [dreg:$0x7]  }
0x30: {  	s28 =	sshrl.u32 s0, $0x3  }
0x31: {  	[spmem:s28], [sflag:s14] =	dma.local [hbm:s1], $0x500  }
0x32: {  	_ =	swait.ge [sflag:s17], $0x500  }
0x33: {  	[sflag:s17] =	ssyncset.done $0x0;
	s31 =	rddreg [dreg:$0x8]  }
0x34: {  	[sflag:s17] =	ssyncadd.s32 $0xFFFFFB00;
	s29 =	sshrl.u32 s31, $0x3  }
0x35: {  	[spmem:s29], [sflag:s14] =	dma.local [hbm:s11], $0xA0  }
0x36: {  	_ =	swait.ge [sflag:s17], $0xA0  }
0x37: {  	[sflag:s17] =	ssyncset.done $0x0  }
0x38: {  	s2 =	rddreg [dreg:$0x10];
	[sflag:s17] =	ssyncadd.s32 $0xFFFFFF60  }
0x39: {  	[spmem:s2], [sflag:s14] =	dma.local [hbm:s1], $0x500  }
0x3a: {  	_ =	swait.ge [sflag:s17], $0x500  }
0x3b: {  	[sflag:s17] =	ssyncset.done $0x0  }
0x3c: {  	s5 =	rddreg [dreg:$0x11];
	[sflag:s17] =	ssyncadd.s32 $0xFFFFFB00  }
0x3d: {  	[spmem:s5], [sflag:s14] =	dma.local [hbm:s11], $0xA0  }
0x3e: {  	_ =	swait.ge [sflag:s17], $0xA0  }
0x3f: {  	[sflag:s17] =	ssyncset.done $0x0  }
0x40: {  	s10 =	rddreg [dreg:$0x12];
	[sflag:s17] =	ssyncadd.s32 $0xFFFFFF60  }
0x41: {  	[spmem:s10], [sflag:s14] =	dma.local [hbm:s1], $0x500  }
0x42: {  	_ =	swait.ge [sflag:s17], $0x500  }
0x43: {  	[sflag:s17] =	ssyncset.done $0x0  }
0x44: {  	s12 =	rddreg [dreg:$0x13];
	[sflag:s17] =	ssyncadd.s32 $0xFFFFFB00  }
0x45: {  	[spmem:s12], [sflag:s14] =	dma.local [hbm:s11], $0xA0  }
0x46: {  	_ =	swait.ge [sflag:s17], $0xA0  }
0x47: {  	[sflag:s17] =	ssyncset.done $0x0  }
0x48: {  	s13 =	rddreg [dreg:$0x14];
	[sflag:s17] =	ssyncadd.s32 $0xFFFFFF60  }
0x49: {  	[spmem:s13], [sflag:s14] =	dma.local [hbm:s1], $0x500  }
0x4a: {  	_ =	swait.ge [sflag:s17], $0x500  }
0x4b: {  	[sflag:s17] =	ssyncset.done $0x0  }
0x4c: {  	s15 =	rddreg [dreg:$0x15];
	[sflag:s17] =	ssyncadd.s32 $0xFFFFFB00  }
0x4d: {  	[spmem:s15], [sflag:s14] =	dma.local [hbm:s11], $0xA0  }
0x4e: {  	_ =	swait.ge [sflag:s17], $0xA0  }
0x4f: {  	[sflag:s17] =	ssyncset.done $0x0  }
0x50: {  	s16 =	rddreg [dreg:$0x16];
	[sflag:s17] =	ssyncadd.s32 $0xFFFFFF60  }
0x51: {  	[spmem:s16], [sflag:s14] =	dma.local [hbm:s1], $0x500  }
0x52: {  	_ =	swait.ge [sflag:s17], $0x500  }
0x53: {  	[sflag:s17] =	ssyncset.done $0x0  }
0x54: {  	s23 =	rddreg [dreg:$0x17];
	[sflag:s17] =	ssyncadd.s32 $0xFFFFFB00  }
0x55: {  	[spmem:s23], [sflag:s14] =	dma.local [hbm:s11], $0xA0  }
0x56: {  	_ =	swait.ge [sflag:s17], $0xA0  }
0x57: {  	[sflag:s17] =	ssyncset.done $0x0  }
0x58: {  	s24 =	rddreg [dreg:$0x18];
	[sflag:s17] =	ssyncadd.s32 $0xFFFFFF60  }
0x59: {  	[spmem:s24], [sflag:s14] =	dma.local [hbm:s1], $0x500  }
0x5a: {  	_ =	swait.ge [sflag:s17], $0x500  }
0x5b: {  	[sflag:s17] =	ssyncset.done $0x0  }
0x5c: {  	s25 =	rddreg [dreg:$0x19];
	[sflag:s17] =	ssyncadd.s32 $0xFFFFFB00  }
0x5d: {  	[spmem:s25], [sflag:s14] =	dma.local [hbm:s11], $0xA0  }
0x5e: {  	_ =	swait.ge [sflag:s17], $0xA0  }
0x5f: {  	[sflag:s17] =	ssyncset.done $0x0  }
0x60: {  	s30 =	rddreg [dreg:$0x1a];
	[sflag:s17] =	ssyncadd.s32 $0xFFFFFF60  }
0x61: {  	[spmem:s30], [sflag:s14] =	dma.local [hbm:s1], $0x500  }
0x62: {  	_ =	swait.ge [sflag:s17], $0x500  }
0x63: {  	[sflag:s17] =	ssyncset.done $0x0  }
0x64: {  	s31 =	rddreg [dreg:$0x1b];
	[sflag:s17] =	ssyncadd.s32 $0xFFFFFB00  }
0x65: {  	[spmem:s31], [sflag:s14] =	dma.local [hbm:s11], $0xA0  }
0x66: {  	_ =	swait.ge [sflag:s17], $0xA0  }
0x67: {  	[sflag:s17] =	ssyncset.done $0x0  }
0x68: {  	s2 =	rddreg [dreg:$0x1c];
	[sflag:s17] =	ssyncadd.s32 $0xFFFFFF60  }
0x69: {  	[spmem:s2], [sflag:s14] =	dma.local [hbm:s1], $0x410  }
0x6a: {  	_ =	swait.ge [sflag:s17], $0x410  }
0x6b: {  	[sflag:s17] =	ssyncset.done $0x0  }
0x6c: {  	s5 =	rddreg [dreg:$0x1d];
	[sflag:s17] =	ssyncadd.s32 $0xFFFFFBF0  }
0x6d: {  	[spmem:s5], [sflag:s14] =	dma.local [hbm:s11], $0x82  }
0x6e: {  	_ =	swait.ge [sflag:s17], $0x82  }
0x6f: {  	s0 =	simm.s32 $0x0;
	[sflag:s17] =	ssyncset.done $0x0  }
0x70: {  	s5 =	simm.s32 $0x320;
	s2 =	rddreg [dreg:$0x5];
	[sflag:s17] =	ssyncadd.s32 $0xFFFFFF7E  }
0x71: {  	[tilespmem:s5], [sflag:$0xB] =	stream.linear.gather [hbm4b:s2+s0], $0x180, $0x38;
	[tilespmem:$0x1DEB0] =	vst v63  }
0x72: {  	_ =	swait.ge [sflag:s17], $0x180  }
0x73: {  	[sflag:s17] =	ssyncset.done $0x0  }
0x74: {  	s10 =	rddreg [dreg:$0x6];
	[sflag:s17] =	ssyncadd.s32 $0xFFFFFE80  }
0x75: {  	[tilespmem:s19], [sflag:$0xB] =	stream.linear.gather [hbm4b:s10+s0], $0x280, $0x38;
	[tilespmem:$0x1DEB0] =	vst v63  }
0x76: {  	_ =	swait.ge [sflag:s17], $0x280  }
0x77: {  	[sflag:s17] =	ssyncset.done $0x0  }
0x78: {  	[sflag:s17] =	ssyncadd.s32 $0xFFFFFD80  }
0x79: {  	[bflag:$0x0] =	sbarrier.arrive $0xFFFF  }
0x7a: {  	v1 =	vld [tilespmem:$0x320]  }
0x7b: {  	v2 =	vld [tilespmem:$0x330]  }
0x7c: {  	v3 =	vld [tilespmem:$0x340]  }
0x7d: {  	v4 =	vld [tilespmem:$0x350]  }
0x7e: {  	v5 =	vld [tilespmem:$0x360]  }
0x7f: {  	v6 =	vld [tilespmem:$0x370]  }
0x80: {  	v7 =	vld [tilespmem:$0x380]  }
0x81: {  	v8 =	vld [tilespmem:$0x390]  }
0x82: {  	v9 =	vld [tilespmem:$0x3A0]  }
0x83: {  	v10 =	vld [tilespmem:$0x3B0]  }
0x84: {  	v11 =	vld [tilespmem:$0x3C0]  }
0x85: {  	v12 =	vld [tilespmem:$0x3D0]  }
0x86: {  	v13 =	vld [tilespmem:$0x3E0]  }
0x87: {  	v14 =	vld [tilespmem:$0x3F0]  }
0x88: {  	v15 =	vld [tilespmem:$0x400]  }
0x89: {  	v16 =	vld [tilespmem:$0x410]  }
0x8a: {  	v17 =	vld [tilespmem:$0x420]  }
0x8b: {  	v18 =	vld [tilespmem:$0x430]  }
0x8c: {  	v19 =	vld [tilespmem:$0x440]  }
0x8d: {  	v20 =	vld [tilespmem:$0x450]  }
0x8e: {  	v21 =	vld [tilespmem:$0x460]  }
0x8f: {  	v22 =	vld [tilespmem:$0x470]  }
0x90: {  	v23 =	vld [tilespmem:$0x480];
	s12 =	rddreg [dreg:$0x9]  }
0x91: {  	v24 =	vld [tilespmem:$0x490];
	[tilespmem:s0], [sflag:$0x1] =	stream.strided.gather [hbm4b:s12+s20], $0x50, s21, s20, $0x38  }
0x92: {  	s13 =	rddreg [dreg:$0xa]  }
0x93: {  	[tilespmem:s22], [sflag:$0x1] =	stream.strided.gather [hbm4b:s13+s20], $0x78, s21, s20, $0x38;
	[tilespmem:$0x1DEB0] =	vst v63  }
0x94: {  	s16 =	simm.s32 $0x50;
	s15 =	rddreg [dreg:$0xb]  }
0x95: {  	[tilespmem:s16], [sflag:$0x2] =	stream.strided.gather [hbm4b:s15+s20], $0x50, s21, s20, $0x38;
	[tilespmem:$0x1DEB0] =	vst v63  }
0x96: {  	s24 =	simm.s32 $0x1B8;
	s25 =	simm.s32 $0x1;
	s23 =	rddreg [dreg:$0xc]  }
0x97: {  	[tilespmem:s24], [sflag:$0x2] =	stream.strided.gather [hbm4b:s23+s20], $0x78, s21, s20, $0x38;
	[tilespmem:$0x1DEB0] =	vst v63  }
0x98: {  	_ =	swait.ge [sflag:s25], $0x50  }
0x99: {  	[sflag:s25] =	ssyncset.done $0x0  }
0x9a: {  	[sflag:s25] =	ssyncadd.s32 $0xFFFFFFB0  }
0x9b: {  	_ =	swait.ge [sflag:s25], $0x78  }
0x9c: {  	[sflag:s25] =	ssyncset.done $0x0  }
0x9d: {  	s30 =	simm.s32 $0x4A0;
	[sflag:s25] =	ssyncadd.s32 $0xFFFFFF88  }
0x9e: {  	[tilespmem:s30], [sflag:$0x5] =	stream.indirect.gather [hbm4b:s6+s20], $0x80, s20, s20, $0xb8;
	[tilespmem:$0x1DEB0] =	vst v63  }
0x9f: {  	s31 =	simm.s32 $0x40A0  }
0xa0: {  	[tilespmem:s31], [sflag:$0x5] =	stream.indirect.gather [hbm4b:s7+s20], $0x80, s0, s20, $0xb8;
	[tilespmem:$0x1DEB0] =	vst v63  }
0xa1: {  	s0 =	simm.s32 $0x0  }
.LBB2_2:
0xa2: {  	p0 =	slt.u32 s0, $0x2  }
0xa3: {  	s2 =	sadd.s32 @!p0 $0xFFFFFFFE, s0  }
0xa4: {  	s5 =	sand.u32 @!p0 $0xFF, s2  }
0xa5: {  	s5 =	smul.u32 @!p0 $0xAB, s5;
	_ =	sdelay $0x1  }
0xa6: {  	s5 =	sshrl.u32 @!p0 s5, $0x9  }
0xa7: {  	s5 =	smul.u32 @!p0 $0x3, s5;
	_ =	sdelay $0x1  }
0xa8: {  	s2 =	ssub.s32 @!p0 s2, s5  }
0xa9: {  	s2 =	sor.u32 @!p0 $0x8, s2  }
0xaa: {  	p1 =	sgt.u32 @!p0 s0, $0xF7;
	s2 =	sand.u32 @!p0 $0xFF, s2  }
0xab: {  	p1 =	por p0, !p1;
	_ =	swait.ge @!p0 [sflag:s2], $0x1400  }
.Ltmp0:
0xac: {  	[sflag:s2] =	ssyncset.done @!p0 $0x0;
	(pc) =	sbr.rel @!p1 .LBB2_4-.Ltmp0, $4  }
0xad: {  	[sflag:s2] =	ssyncadd.s32 @!p0 $0xFFFFEC00  }
0xae: {  	_ =	swait.ge @!p0 [sflag:s2], $0x280  }
0xaf: {  	[sflag:s2] =	ssyncset.done @!p0 $0x0  }
0xb0: {  	[sflag:s2] =	ssyncadd.s32 @!p0 $0xFFFFFD80  }
0xb1: {  	s2 =	sadd.s32 $0x2, s0  }
0xb2: {  	s5 =	sand.u32 $0x3, s2  }
0xb3: {  	s2 =	sadd.s32 s18, s2;
	s10 =	smul.u32 $0x140, s5  }
0xb4: {  	s2 =	smul.u32 $0x5, s2  }
0xb5: {  	s12 =	sadd.s32 $0x1, s5;
	s5 =	smul.u32 $0x1E0, s5  }
0xb6: {  	s10 =	sshrl.u32 s10, $0x2  }
.Ltmp1:
0xb7: {  	s13 =	sadd.s32 s8, s2;
	s5 =	sshrl.u32 s5, $0x2;
	(pc) =	sbr.rel .LBB2_5-.Ltmp1, $4  }
0xb8: {  	[tilespmem:s10], [sflag:s12] =	stream.strided.gather [hbm4b:s13+s20], $0x50, s21, s20, $0x38;
	[tilespmem:$0x1DEB0] =	vst v63  }
0xb9: {  	s2 =	sadd.s32 s9, s2;
	s5 =	sadd.s32 $0x140, s5  }
0xba: {  	[tilespmem:s5], [sflag:s12] =	stream.strided.gather [hbm4b:s2+s20], $0x78, s21, s20, $0x38;
	[tilespmem:$0x1DEB0] =	vst v63  }
0xbb: {  	s2 =	sadd.s32 $0x1, s0  }
.LBB2_4:
0xbc: {  	p0 =	seq.s32 s0, $0xF9  }
.Ltmp2:
0xbd: {  	_ = 	snop;
	(pc) =	sbr.rel @p0 .LBB2_6-.Ltmp2, $2  }
0xbe: {  	_ =	sdelay $0x2  }
0xbf: {  	s2 =	simm.s32 $0xF9;
	s30 =	simm.s32 $0xFA  }
.LBB2_5:
0xc0: {  	s5 =	smul.u32 $0xAB, s2;
	_ =	sdelay $0x1  }
0xc1: {  	s5 =	sshrl.u32 s5, $0x9  }
0xc2: {  	s10 =	sand.u32 $0x3, s2;
	s5 =	sand.u32 $0x7F, s5  }
0xc3: {  	s12 =	sadd.s32 $0x1, s10;
	s5 =	smul.u32 $0x3, s5  }
0xc4: {  	_ =	swait.ge [sflag:s12], $0x50  }
0xc5: {  	s10 =	smul.u32 $0x140, s10;
	[sflag:s12] =	ssyncset.done $0x0;
	s5 =	ssub.s32 s2, s5  }
0xc6: {  	[sflag:s12] =	ssyncadd.s32 $0xFFFFFFB0;
	s5 =	sand.u32 $0xFF, s5  }
0xc7: {  	s10 =	sshrl.u32 s10, $0x2;
	_ =	swait.ge [sflag:s12], $0x78;
	s13 =	smul.u32 $0x1400, s5  }
0xc8: {  	s15 =	sadd.s32 $0x28, s10;
	[sflag:s12] =	ssyncset.done $0x0  }
0xc9: {  	[sflag:s12] =	ssyncadd.s32 $0xFFFFFF88;
	s5 =	sadd.s32 $0x5, s5;
	s25 =	sadd.s32 $0x4A0, s13  }
0xca: {  	[tilespmem:s25], [sflag:s5] =	stream.indirect.gather [hbm4b:s6+s20], $0x80, s15, s20, $0xb8;
	[tilespmem:$0x1DEB0] =	vst v63  }
0xcb: {  	s30 =	smov.u32 s2;
	s31 =	sor.u32 $0x40A0, s13  }
0xcc: {  	[tilespmem:s31], [sflag:s5] =	stream.indirect.gather [hbm4b:s7+s20], $0x80, s10, s20, $0xb8;
	[tilespmem:$0x1DEB0] =	vst v63  }
.LBB2_6:
0xcd: {  	s31 =	sand.u32 $0x3, s0  }
0xce: {  	v25 =	vmov s31  }
0xcf: {  	v25 =	vmul.u32 $0x78, v25;
	_ =	sdelay $0x1  }
0xd0: {  	s2 =	smul.u32 $0xAB, s0;
	v25 =	vbroadcast v25, $0x0;
	_ =	sdelay $0x1  }
0xd1: {  	s2 =	sshrl.u32 s2, $0x9;
	v26 =	vor.u32 $0x1, v25  }
0xd2: {  	s2 =	sand.u32 $0x7F, s2;
	[tilespmem:$0x1FE90] =	vst v26;
	v26 =	vor.u32 $0x2, v25  }
0xd3: {  	s2 =	smul.u32 $0x3, s2;
	[tilespmem:$0x1FEA0] =	vst v26;
	v26 =	vor.u32 $0x3, v25  }
0xd4: {  	[tilespmem:$0x1FEB0] =	vst v26;
	v26 =	vor.u32 $0x4, v25  }
0xd5: {  	s24 =	ssub.s32 s0, s2;
	[tilespmem:$0x1FEC0] =	vst v26;
	v26 =	vor.u32 $0x5, v25  }
0xd6: {  	s0 =	sand.u32 $0xFF, s24;
	[tilespmem:$0x1FED0] =	vst v26;
	v26 =	vor.u32 $0x6, v25  }
0xd7: {  	s25 =	sadd.s32 $0x5, s0;
	[tilespmem:$0x1FEE0] =	vst v26  }
0xd8: {  	v26 =	vor.u32 $0x7, v25;
	_ =	swait.ge [sflag:s25], $0x1400  }
0xd9: {  	[tilespmem:$0x1FEF0] =	vst v26;
	v26 =	vadd.s32 $0x28, v25  }
0xda: {  	[tilespmem:$0x1FF00] =	vst v26;
	v26 =	vadd.s32 $0x50, v25  }
0xdb: {  	[tilespmem:$0x1FF10] =	vst v26;
	v26 =	vadd.s32 $0x29, v25  }
0xdc: {  	[tilespmem:$0x1FF20] =	vst v26;
	v26 =	vadd.s32 $0x51, v25  }
0xdd: {  	[tilespmem:$0x1FF30] =	vst v26;
	v26 =	vadd.s32 $0x2A, v25  }
0xde: {  	[tilespmem:$0x1FF40] =	vst v26;
	v26 =	vadd.s32 $0x52, v25  }
0xdf: {  	[tilespmem:$0x1FF50] =	vst v26;
	v26 =	vadd.s32 $0x2B, v25  }
0xe0: {  	[sflag:s25] =	ssyncset.done $0x0;
	[tilespmem:$0x1FF60] =	vst v26;
	v26 =	vadd.s32 $0x53, v25  }
0xe1: {  	[sflag:s25] =	ssyncadd.s32 $0xFFFFEC00;
	[tilespmem:$0x1FF70] =	vst v26  }
0xe2: {  	v26 =	vadd.s32 $0x2C, v25;
	_ =	swait.ge [sflag:s25], $0x1400  }
0xe3: {  	[tilespmem:$0x1FF80] =	vst v26;
	v26 =	vadd.s32 $0x54, v25  }
0xe4: {  	[tilespmem:$0x1FF90] =	vst v26;
	v26 =	vadd.s32 $0x2D, v25  }
0xe5: {  	[tilespmem:$0x1FFA0] =	vst v26;
	v26 =	vadd.s32 $0x55, v25  }
0xe6: {  	[tilespmem:$0x1FFB0] =	vst v26;
	v26 =	vadd.s32 $0x2E, v25  }
0xe7: {  	[tilespmem:$0x1FFC0] =	vst v26;
	v26 =	vadd.s32 $0x56, v25  }
0xe8: {  	s5 =	smul.u32 $0x1400, s0;
	[tilespmem:$0x1FFD0] =	vst v26;
	v26 =	vadd.s32 $0x2F, v25  }
0xe9: {  	[sflag:s25] =	ssyncset.done $0x0;
	[tilespmem:$0x1FFE0] =	vst v26;
	v26 =	vadd.s32 $0x57, v25  }
0xea: {  	s2 =	simm.s32 $0x0;
	v49 =	vmov s5;
	[sflag:s25] =	ssyncadd.s32 $0xFFFFEC00;
	[tilespmem:$0x1FFF0] =	vst v26  }
.LBB2_7:
0xeb: {  	v26 =	vmov s2  }
0xec: {  	v26 =	vshrl.u32 v26, $0x3  }
0xed: {  	v28 =	vld [tilespmem:$0x1FF00];
	v26 =	vshll.u32 v26, v0  }
0xee: {  	v27 =	vbroadcast v26, $0x0  }
0xef: {  	v29 =	vld [tilespmem:$0x1FF10]  }
0xf0: {  	v26 =	vadd.s32 v25, v27;
	_ =	sdelay $0x1  }
0xf1: {  	s10 =	sshll.u32 s2, $0x7;
	v28 =	vadd.s32 v28, v27  }
0xf2: {  	v56 =	vld.idx.msk [tilespmem:v49+s10+$0x4A0 ss:$0x1], $0xffff  }
0xf3: {  	v30 =	vld.idx.msk [tilespmem:v49+s10+$0x40A0 ss:$0x1], $0xffff;
	v27 =	vadd.s32 v29, v27  }
0xf4: {  	v26 =	vld.idx.msk [tilespmem:v26+s22+$0x0], $0xffff;
	_ =	sdelay $0x1  }
0xf5: {  	v34 =	vld.idx.msk [tilespmem:v28+s22+$0x0], $0xffff;
	_ =	sdelay $0x1  }
0xf6: {  	v33 =	vld.idx.msk [tilespmem:v27+s22+$0x0], $0xffff  }
0xf7: {  	v27 =	vadd.f32 v30, v56;
	v57 =	vmul.f32 v26, v1;
	_ =	sdelay $0x1  }
0xf8: {  	v58 =	vmul.f32 v34, v9;
	v27 =	vadd.f32 v27, v57;
	_ =	sdelay $0x1  }
0xf9: {  	v59 =	vmul.f32 v33, v17;
	v27 =	vadd.f32 v27, v58;
	_ =	sdelay $0x1  }
0xfa: {  	v27 =	vadd.f32 v27, v59;
	_ =	sdelay $0x1  }
0xfb: {  	v27 =	vmax.f32 v27, $0.0e+00  }
0xfc: {  	[tilespmem:v49+s10+$0x4A0 ss:$0x1] =	vst.idx.msk $0xffff, v27  }
0xfd: {  	v27 =	vld.idx.msk [tilespmem:v49+s10+$0x4B0 ss:$0x1], $0xffff  }
0xfe: {  	v60 =	vld.idx.msk [tilespmem:v49+s10+$0x40B0 ss:$0x1], $0xffff;
	_ =	sdelay $0x4  }
0xff: {  	v61 =	vmul.f32 v26, v2;
	v27 =	vadd.f32 v60, v27;
	_ =	sdelay $0x1  }
0x100: {  	v62 =	vmul.f32 v34, v10;
	v27 =	vadd.f32 v27, v61;
	_ =	sdelay $0x1  }
0x101: {  	v63 =	vmul.f32 v33, v18;
	v27 =	vadd.f32 v27, v62;
	_ =	sdelay $0x1  }
0x102: {  	v27 =	vadd.f32 v27, v63  }
0x103: {  	s5 =	sor.u32 $0x1, s2  }
0x104: {  	v37 =	vld [tilespmem:$0x1FE90];
	v32 =	vmov s5;
	v27 =	vmax.f32 v27, $0.0e+00  }
0x105: {  	v31 =	vld [tilespmem:$0x1FF20];
	[tilespmem:v49+s10+$0x4B0 ss:$0x1] =	vst.idx.msk $0xffff, v27;
	v27 =	vshrl.u32 v32, $0x3  }
0x106: {  	v35 =	vld.idx.msk [tilespmem:v49+s10+$0x4C0 ss:$0x1], $0xffff;
	v27 =	vshll.u32 v27, v0  }
0x107: {  	v36 =	vld.idx.msk [tilespmem:v49+s10+$0x40C0 ss:$0x1], $0xffff;
	v27 =	vbroadcast v27, $0x0  }
0x108: {  	v40 =	vld [tilespmem:$0x1FF30]  }
0x109: {  	v30 =	vadd.s32 v37, v27;
	_ =	sdelay $0x1  }
0x10a: {  	s12 =	sshll.u32 s5, $0x7;
	v31 =	vadd.s32 v31, v27  }
0x10b: {  	v41 =	vld.idx.msk [tilespmem:v49+s12+$0x4A0 ss:$0x1], $0xffff;
	v38 =	vmul.f32 v26, v3;
	v28 =	vadd.f32 v36, v35  }
0x10c: {  	v32 =	vld.idx.msk [tilespmem:v49+s12+$0x40A0 ss:$0x1], $0xffff;
	v27 =	vadd.s32 v40, v27  }
0x10d: {  	v39 =	vmul.f32 v34, v11;
	v28 =	vadd.f32 v28, v38;
	v53 =	vld.idx.msk [tilespmem:v30+s22+$0x0], $0xffff;
	_ =	sdelay $0x1  }
0x10e: {  	v42 =	vmul.f32 v33, v19;
	v52 =	vld.idx.msk [tilespmem:v31+s22+$0x0], $0xffff;
	v28 =	vadd.f32 v28, v39;
	_ =	sdelay $0x1  }
0x10f: {  	v50 =	vld.idx.msk [tilespmem:v27+s22+$0x0], $0xffff;
	v28 =	vadd.f32 v28, v42  }
0x110: {  	v27 =	vadd.f32 v32, v41;
	v43 =	vmul.f32 v53, v1  }
0x111: {  	v28 =	vmax.f32 v28, $0.0e+00  }
0x112: {  	v55 =	vld [tilespmem:$0x1FEA0];
	v46 =	vmul.f32 v52, v9;
	[tilespmem:v49+s10+$0x4C0 ss:$0x1] =	vst.idx.msk $0xffff, v28;
	v27 =	vadd.f32 v27, v43  }
0x113: {  	s13 =	sor.u32 $0x2, s2;
	v44 =	vld.idx.msk [tilespmem:v49+s10+$0x4D0 ss:$0x1], $0xffff  }
0x114: {  	v47 =	vmov s13;
	v48 =	vmul.f32 v50, v17;
	v45 =	vld.idx.msk [tilespmem:v49+s10+$0x40D0 ss:$0x1], $0xffff;
	v27 =	vadd.f32 v27, v46  }
0x115: {  	v31 =	vshrl.u32 v47, $0x3  }
0x116: {  	v35 =	vld [tilespmem:$0x1FF40];
	v31 =	vshll.u32 v31, v0;
	v27 =	vadd.f32 v27, v48  }
0x117: {  	v31 =	vbroadcast v31, $0x0  }
0x118: {  	v54 =	vmul.f32 v26, v4;
	v59 =	vld [tilespmem:$0x1FF50];
	v27 =	vmax.f32 v27, $0.0e+00  }
0x119: {  	v30 =	vadd.s32 v55, v31;
	v51 =	vadd.f32 v45, v44;
	[tilespmem:v49+s12+$0x4A0 ss:$0x1] =	vst.idx.msk $0xffff, v27  }
0x11a: {  	v27 =	vld.idx.msk [tilespmem:v49+s12+$0x4B0 ss:$0x1], $0xffff  }
0x11b: {  	s13 =	sshll.u32 s13, $0x7;
	v56 =	vmul.f32 v34, v12;
	v28 =	vadd.f32 v51, v54;
	v51 =	vadd.s32 v35, v31;
	v58 =	vld.idx.msk [tilespmem:v49+s12+$0x40B0 ss:$0x1], $0xffff  }
0x11c: {  	v60 =	vld.idx.msk [tilespmem:v49+s13+$0x4A0 ss:$0x1], $0xffff  }
0x11d: {  	v57 =	vmul.f32 v33, v20;
	v61 =	vld.idx.msk [tilespmem:v49+s13+$0x40A0 ss:$0x1], $0xffff;
	v29 =	vadd.s32 v59, v31;
	v28 =	vadd.f32 v28, v56  }
0x11e: {  	v55 =	vld.idx.msk [tilespmem:v30+s22+$0x0], $0xffff  }
0x11f: {  	v28 =	vadd.f32 v28, v57  }
0x120: {  	v62 =	vmul.f32 v53, v2;
	v54 =	vld.idx.msk [tilespmem:v51+s22+$0x0], $0xffff;
	v27 =	vadd.f32 v58, v27  }
0x121: {  	v28 =	vmax.f32 v28, $0.0e+00  }
0x122: {  	v35 =	vmul.f32 v52, v10;
	v51 =	vld.idx.msk [tilespmem:v29+s22+$0x0], $0xffff;
	[tilespmem:v49+s10+$0x4D0 ss:$0x1] =	vst.idx.msk $0xffff, v28;
	v27 =	vadd.f32 v27, v62  }
0x123: {  	v30 =	vadd.f32 v61, v60;
	v37 =	vmul.f32 v55, v1;
	v63 =	vld.idx.msk [tilespmem:v49+s10+$0x4E0 ss:$0x1], $0xffff  }
0x124: {  	v38 =	vmul.f32 v50, v18;
	v36 =	vld.idx.msk [tilespmem:v49+s10+$0x40E0 ss:$0x1], $0xffff;
	v27 =	vadd.f32 v27, v35  }
0x125: {  	s15 =	sor.u32 $0x3, s2;
	v30 =	vadd.f32 v30, v37;
	v39 =	vmul.f32 v54, v9  }
0x126: {  	v56 =	vmov s15;
	v27 =	vadd.f32 v27, v38  }
0x127: {  	v44 =	vld [tilespmem:$0x1FEB0];
	v40 =	vshrl.u32 v56, $0x3;
	v41 =	vmul.f32 v51, v17;
	v30 =	vadd.f32 v30, v39  }
0x128: {  	v28 =	vshll.u32 v40, v0;
	v27 =	vmax.f32 v27, $0.0e+00  }
0x129: {  	v29 =	vadd.f32 v36, v63;
	v36 =	vld [tilespmem:$0x1FF60];
	[tilespmem:v49+s12+$0x4B0 ss:$0x1] =	vst.idx.msk $0xffff, v27;
	v27 =	vadd.f32 v30, v41  }
0x12a: {  	v42 =	vmul.f32 v26, v5;
	v28 =	vbroadcast v28, $0x0;
	v39 =	vld [tilespmem:$0x1FF70]  }
0x12b: {  	v45 =	vmul.f32 v34, v13;
	v43 =	vld.idx.msk [tilespmem:v49+s12+$0x4C0 ss:$0x1], $0xffff;
	v27 =	vmax.f32 v27, $0.0e+00  }
0x12c: {  	v31 =	vadd.s32 v44, v28;
	v29 =	vadd.f32 v29, v42;
	v46 =	vld.idx.msk [tilespmem:v49+s12+$0x40C0 ss:$0x1], $0xffff;
	[tilespmem:v49+s13+$0x4A0 ss:$0x1] =	vst.idx.msk $0xffff, v27  }
0x12d: {  	v48 =	vld.idx.msk [tilespmem:v49+s13+$0x4B0 ss:$0x1], $0xffff  }
0x12e: {  	v47 =	vmul.f32 v33, v21;
	s15 =	sshll.u32 s15, $0x7;
	v27 =	vadd.f32 v29, v45;
	v59 =	vadd.s32 v36, v28;
	v58 =	vld.idx.msk [tilespmem:v49+s13+$0x40B0 ss:$0x1], $0xffff  }
0x12f: {  	v60 =	vld.idx.msk [tilespmem:v49+s15+$0x40A0 ss:$0x1], $0xffff  }
0x130: {  	v40 =	vld.idx.msk [tilespmem:v49+s15+$0x4A0 ss:$0x1], $0xffff;
	v28 =	vadd.s32 v39, v28;
	v27 =	vadd.f32 v27, v47  }
0x131: {  	v38 =	vmul.f32 v53, v3;
	v57 =	vld.idx.msk [tilespmem:v31+s22+$0x0], $0xffff;
	v37 =	vadd.f32 v46, v43  }
0x132: {  	v41 =	vmul.f32 v52, v11;
	v42 =	vmul.f32 v55, v2;
	v27 =	vmax.f32 v27, $0.0e+00  }
0x133: {  	v29 =	vadd.f32 v37, v38;
	[tilespmem:v49+s10+$0x4E0 ss:$0x1] =	vst.idx.msk $0xffff, v27;
	v27 =	vadd.f32 v58, v48;
	v58 =	vld.idx.msk [tilespmem:v59+s22+$0x0], $0xffff  }
0x134: {  	v44 =	vmul.f32 v50, v19  }
0x135: {  	v45 =	vmul.f32 v54, v10;
	v56 =	vld.idx.msk [tilespmem:v28+s22+$0x0], $0xffff;
	v29 =	vadd.f32 v29, v41;
	v27 =	vadd.f32 v27, v42  }
0x136: {  	v47 =	vadd.f32 v60, v40;
	v43 =	vld.idx.msk [tilespmem:v49+s10+$0x4F0 ss:$0x1], $0xffff;
	v48 =	vmul.f32 v57, v1  }
0x137: {  	v60 =	vmul.f32 v51, v18;
	v46 =	vld.idx.msk [tilespmem:v49+s10+$0x40F0 ss:$0x1], $0xffff;
	v29 =	vadd.f32 v29, v44;
	v27 =	vadd.f32 v27, v45  }
0x138: {  	v30 =	vadd.f32 v47, v48;
	v61 =	vmul.f32 v58, v9  }
0x139: {  	v29 =	vmax.f32 v29, $0.0e+00;
	v27 =	vadd.f32 v27, v60  }
0x13a: {  	v62 =	vmul.f32 v56, v17;
	[tilespmem:v49+s12+$0x4C0 ss:$0x1] =	vst.idx.msk $0xffff, v29;
	v30 =	vadd.f32 v30, v61  }
0x13b: {  	v63 =	vmul.f32 v26, v6;
	v29 =	vld.idx.msk [tilespmem:v49+s12+$0x4D0 ss:$0x1], $0xffff;
	v27 =	vmax.f32 v27, $0.0e+00  }
0x13c: {  	v28 =	vadd.f32 v46, v43;
	v36 =	vld.idx.msk [tilespmem:v49+s12+$0x40D0 ss:$0x1], $0xffff;
	[tilespmem:v49+s13+$0x4B0 ss:$0x1] =	vst.idx.msk $0xffff, v27;
	v27 =	vadd.f32 v30, v62  }
0x13d: {  	v38 =	vld.idx.msk [tilespmem:v49+s13+$0x4C0 ss:$0x1], $0xffff  }
0x13e: {  	v37 =	vmul.f32 v34, v14;
	v28 =	vadd.f32 v28, v63;
	v39 =	vld.idx.msk [tilespmem:v49+s13+$0x40C0 ss:$0x1], $0xffff;
	v27 =	vmax.f32 v27, $0.0e+00  }
0x13f: {  	[tilespmem:v49+s15+$0x4A0 ss:$0x1] =	vst.idx.msk $0xffff, v27  }
0x140: {  	v28 =	vadd.f32 v28, v37;
	v27 =	vmul.f32 v33, v22;
	v41 =	vld.idx.msk [tilespmem:v49+s15+$0x4B0 ss:$0x1], $0xffff  }
0x141: {  	v40 =	vmul.f32 v53, v4;
	v29 =	vadd.f32 v36, v29;
	v42 =	vld.idx.msk [tilespmem:v49+s15+$0x40B0 ss:$0x1], $0xffff  }
0x142: {  	v44 =	vmul.f32 v52, v12;
	v27 =	vadd.f32 v28, v27  }
0x143: {  	v46 =	vmul.f32 v55, v3;
	v43 =	vadd.f32 v29, v40;
	v45 =	vadd.f32 v39, v38  }
0x144: {  	v47 =	vmul.f32 v50, v20;
	v48 =	vmul.f32 v54, v11;
	v27 =	vmax.f32 v27, $0.0e+00  }
0x145: {  	v28 =	vadd.f32 v43, v44;
	[tilespmem:v49+s10+$0x4F0 ss:$0x1] =	vst.idx.msk $0xffff, v27;
	v27 =	vadd.f32 v45, v46  }
0x146: {  	v62 =	vmul.f32 v57, v2;
	v61 =	vadd.f32 v42, v41;
	v63 =	vld.idx.msk [tilespmem:v49+s10+$0x500 ss:$0x1], $0xffff  }
0x147: {  	v35 =	vmul.f32 v51, v19;
	v28 =	vadd.f32 v28, v47;
	v36 =	vld.idx.msk [tilespmem:v49+s10+$0x4100 ss:$0x1], $0xffff;
	v27 =	vadd.f32 v27, v48  }
0x148: {  	v37 =	vmul.f32 v58, v10;
	v29 =	vadd.f32 v61, v62  }
0x149: {  	v28 =	vmax.f32 v28, $0.0e+00;
	v27 =	vadd.f32 v27, v35  }
0x14a: {  	v38 =	vmul.f32 v56, v18;
	[tilespmem:v49+s12+$0x4D0 ss:$0x1] =	vst.idx.msk $0xffff, v28;
	v29 =	vadd.f32 v29, v37  }
0x14b: {  	v41 =	vmul.f32 v26, v7;
	v28 =	vld.idx.msk [tilespmem:v49+s12+$0x4E0 ss:$0x1], $0xffff;
	v27 =	vmax.f32 v27, $0.0e+00  }
0x14c: {  	v39 =	vld.idx.msk [tilespmem:v49+s12+$0x40E0 ss:$0x1], $0xffff;
	v40 =	vadd.f32 v36, v63;
	[tilespmem:v49+s13+$0x4C0 ss:$0x1] =	vst.idx.msk $0xffff, v27;
	v27 =	vadd.f32 v29, v38  }
0x14d: {  	v42 =	vld.idx.msk [tilespmem:v49+s13+$0x4D0 ss:$0x1], $0xffff  }
0x14e: {  	v44 =	vmul.f32 v34, v15;
	v43 =	vld.idx.msk [tilespmem:v49+s13+$0x40D0 ss:$0x1], $0xffff;
	v29 =	vadd.f32 v40, v41;
	v27 =	vmax.f32 v27, $0.0e+00  }
0x14f: {  	[tilespmem:v49+s15+$0x4B0 ss:$0x1] =	vst.idx.msk $0xffff, v27  }
0x150: {  	v48 =	vmul.f32 v33, v23;
	v29 =	vadd.f32 v29, v44;
	v46 =	vld.idx.msk [tilespmem:v49+s15+$0x4C0 ss:$0x1], $0xffff  }
0x151: {  	v45 =	vmul.f32 v53, v5;
	v27 =	vadd.f32 v39, v28;
	v47 =	vld.idx.msk [tilespmem:v49+s15+$0x40C0 ss:$0x1], $0xffff  }
0x152: {  	v35 =	vmul.f32 v55, v4;
	v29 =	vadd.f32 v29, v48  }
0x153: {  	v63 =	vmul.f32 v52, v13;
	v27 =	vadd.f32 v27, v45;
	v32 =	vadd.f32 v43, v42  }
0x154: {  	v37 =	vmul.f32 v54, v12;
	v36 =	vmul.f32 v50, v21;
	v29 =	vmax.f32 v29, $0.0e+00  }
0x155: {  	v45 =	vld [tilespmem:$0x1FEC0];
	v27 =	vadd.f32 v27, v63;
	v32 =	vadd.f32 v32, v35;
	[tilespmem:v49+s10+$0x500 ss:$0x1] =	vst.idx.msk $0xffff, v29  }
0x156: {  	v38 =	vmul.f32 v57, v3;
	v30 =	vadd.f32 v47, v46;
	v63 =	vld.idx.msk [tilespmem:v49+s10+$0x4110 ss:$0x1], $0xffff  }
0x157: {  	s16 =	sor.u32 $0x4, s2;
	v40 =	vmul.f32 v51, v20;
	v27 =	vadd.f32 v27, v36;
	v39 =	vadd.f32 v32, v37;
	v32 =	vld.idx.msk [tilespmem:v49+s10+$0x510 ss:$0x1], $0xffff  }
0x158: {  	v41 =	vmul.f32 v58, v11;
	v42 =	vmov s16;
	v30 =	vadd.f32 v30, v38;
	v38 =	vld [tilespmem:$0x1FF80]  }
0x159: {  	s16 =	sshll.u32 s16, $0x7;
	v43 =	vshrl.u32 v42, $0x3;
	v27 =	vmax.f32 v27, $0.0e+00;
	v28 =	vadd.f32 v39, v40;
	v39 =	vld [tilespmem:$0x1FF90]  }
0x15a: {  	v29 =	vshll.u32 v43, v0;
	[tilespmem:v49+s12+$0x4E0 ss:$0x1] =	vst.idx.msk $0xffff, v27;
	v40 =	vld.idx.msk [tilespmem:v49+s16+$0x40A0 ss:$0x1], $0xffff  }
0x15b: {  	v44 =	vmul.f32 v56, v19;
	v27 =	vbroadcast v29, $0x0;
	v30 =	vadd.f32 v30, v41;
	v29 =	vld.idx.msk [tilespmem:v49+s12+$0x4F0 ss:$0x1], $0xffff  }
0x15c: {  	v31 =	vld.idx.msk [tilespmem:v49+s12+$0x40F0 ss:$0x1], $0xffff;
	v28 =	vmax.f32 v28, $0.0e+00  }
0x15d: {  	v41 =	vld [tilespmem:$0x1FFA0];
	v30 =	vadd.f32 v30, v44;
	[tilespmem:v49+s13+$0x4D0 ss:$0x1] =	vst.idx.msk $0xffff, v28  }
0x15e: {  	s23 =	sor.u32 $0x5, s2;
	v28 =	vadd.s32 v45, v27;
	v44 =	vld [tilespmem:$0x1FED0];
	v48 =	vadd.s32 v38, v27;
	v27 =	vadd.s32 v39, v27  }
0x15f: {  	v46 =	vmov s23;
	v35 =	vld.idx.msk [tilespmem:v49+s13+$0x4E0 ss:$0x1], $0xffff  }
0x160: {  	v59 =	vshrl.u32 v46, $0x3;
	v36 =	vld.idx.msk [tilespmem:v49+s13+$0x40E0 ss:$0x1], $0xffff  }
0x161: {  	v47 =	vshll.u32 v59, v0;
	v30 =	vmax.f32 v30, $0.0e+00;
	v39 =	vld.idx.msk [tilespmem:v49+s16+$0x4A0 ss:$0x1], $0xffff  }
0x162: {  	[tilespmem:v49+s15+$0x4C0 ss:$0x1] =	vst.idx.msk $0xffff, v30;
	v30 =	vbroadcast v47, $0x0;
	v47 =	vld [tilespmem:$0x1FEE0]  }
0x163: {  	v59 =	vld.idx.msk [tilespmem:v27+s22+$0x0], $0xffff  }
0x164: {  	s24 =	sor.u32 $0x6, s2;
	v27 =	vld [tilespmem:$0x1FFB0]  }
0x165: {  	v45 =	vmov s24;
	v37 =	vld.idx.msk [tilespmem:v49+s15+$0x4D0 ss:$0x1], $0xffff  }
0x166: {  	v60 =	vshrl.u32 v45, $0x3;
	v61 =	vld.idx.msk [tilespmem:v28+s22+$0x0], $0xffff;
	v28 =	vadd.s32 v44, v30  }
0x167: {  	v62 =	vshll.u32 v60, v0;
	v38 =	vld.idx.msk [tilespmem:v49+s15+$0x40D0 ss:$0x1], $0xffff  }
0x168: {  	v42 =	vbroadcast v62, $0x0;
	v44 =	vld [tilespmem:$0x1FFC0]  }
0x169: {  	s25 =	sor.u32 $0x7, s2;
	v60 =	vld.idx.msk [tilespmem:v48+s22+$0x0], $0xffff;
	v27 =	vadd.s32 v27, v30  }
0x16a: {  	v46 =	vmov s25;
	v43 =	vadd.s32 v47, v42;
	v47 =	vld [tilespmem:$0x1FFD0]  }
0x16b: {  	s23 =	sshll.u32 s23, $0x7;
	v41 =	vadd.s32 v41, v30;
	v48 =	vshrl.u32 v46, $0x3;
	v39 =	vadd.f32 v40, v39;
	v62 =	vld.idx.msk [tilespmem:v28+s22+$0x0], $0xffff  }
0x16c: {  	v28 =	vshll.u32 v48, v0;
	v48 =	vmul.f32 v61, v1;
	v30 =	vadd.f32 v63, v32;
	v32 =	vld.idx.msk [tilespmem:v49+s23+$0x4A0 ss:$0x1], $0xffff  }
0x16d: {  	v29 =	vadd.f32 v31, v29;
	v46 =	vmul.f32 v26, v8;
	v63 =	vadd.s32 v44, v42;
	v44 =	vld.idx.msk [tilespmem:v49+s23+$0x40A0 ss:$0x1], $0xffff  }
0x16e: {  	v31 =	vmul.f32 v53, v6;
	v39 =	vadd.f32 v39, v48;
	v48 =	vmul.f32 v60, v9;
	v26 =	vld.idx.msk [tilespmem:v27+s22+$0x0], $0xffff  }
0x16f: {  	v35 =	vadd.f32 v36, v35;
	v46 =	vadd.f32 v30, v46;
	v27 =	vld [tilespmem:$0x1FEF0]  }
0x170: {  	v36 =	vld [tilespmem:$0x1FFF0];
	v30 =	vadd.f32 v29, v31;
	v29 =	vadd.f32 v39, v48;
	v39 =	vmul.f32 v59, v17  }
0x171: {  	v42 =	vadd.s32 v47, v42;
	v47 =	vld [tilespmem:$0x1FFE0]  }
0x172: {  	s24 =	sshll.u32 s24, $0x7;
	v45 =	vbroadcast v28, $0x0;
	v28 =	vld.idx.msk [tilespmem:v41+s22+$0x0], $0xffff;
	v48 =	vmul.f32 v55, v5;
	v39 =	vadd.f32 v29, v39  }
0x173: {  	s25 =	sshll.u32 s25, $0x7;
	v32 =	vadd.f32 v44, v32;
	v44 =	vld.idx.msk [tilespmem:v49+s24+$0x40A0 ss:$0x1], $0xffff  }
0x174: {  	v35 =	vadd.f32 v35, v48;
	v48 =	vmax.f32 v39, $0.0e+00;
	v39 =	vld.idx.msk [tilespmem:v49+s25+$0x40A0 ss:$0x1], $0xffff;
	v41 =	vadd.s32 v27, v45  }
0x175: {  	v40 =	vmul.f32 v62, v1;
	v27 =	vld.idx.msk [tilespmem:v43+s22+$0x0], $0xffff  }
0x176: {  	v36 =	vadd.s32 v36, v45;
	v47 =	vadd.s32 v47, v45;
	v43 =	vld.idx.msk [tilespmem:v49+s24+$0x4A0 ss:$0x1], $0xffff  }
0x177: {  	v31 =	vmul.f32 v52, v14;
	v32 =	vadd.f32 v32, v40;
	v40 =	vmul.f32 v28, v9;
	v45 =	vld.idx.msk [tilespmem:v49+s25+$0x4A0 ss:$0x1], $0xffff  }
0x178: {  	v63 =	vld.idx.msk [tilespmem:v63+s22+$0x0], $0xffff;
	[tilespmem:v49+s16+$0x4A0 ss:$0x1] =	vst.idx.msk $0xffff, v48;
	v48 =	vmul.f32 v54, v13  }
0x179: {  	v29 =	vld.idx.msk [tilespmem:v41+s22+$0x0], $0xffff;
	v41 =	vadd.f32 v30, v31;
	v31 =	vadd.f32 v32, v40;
	v32 =	vmul.f32 v26, v17  }
0x17a: {  	v35 =	vadd.f32 v35, v48;
	v40 =	vmul.f32 v50, v22;
	v30 =	vld.idx.msk [tilespmem:v42+s22+$0x0], $0xffff  }
0x17b: {  	v42 =	vadd.f32 v44, v43;
	v43 =	vmul.f32 v27, v1;
	v32 =	vadd.f32 v31, v32;
	v31 =	vld.idx.msk [tilespmem:v47+s22+$0x0], $0xffff  }
0x17c: {  	v44 =	vld.idx.msk [tilespmem:v49+s16+$0x4B0 ss:$0x1], $0xffff;
	v39 =	vadd.f32 v39, v45;
	v40 =	vadd.f32 v41, v40  }
0x17d: {  	v42 =	vadd.f32 v42, v43;
	v43 =	vmul.f32 v63, v9;
	v48 =	vmax.f32 v32, $0.0e+00;
	v32 =	vld.idx.msk [tilespmem:v36+s22+$0x0], $0xffff  }
0x17e: {  	v41 =	vmul.f32 v51, v21;
	v36 =	vld.idx.msk [tilespmem:v49+s16+$0x40B0 ss:$0x1], $0xffff;
	[tilespmem:v49+s23+$0x4A0 ss:$0x1] =	vst.idx.msk $0xffff, v48;
	v48 =	vmul.f32 v29, v1  }
0x17f: {  	v34 =	vmul.f32 v34, v16;
	v42 =	vadd.f32 v42, v43;
	v43 =	vmul.f32 v30, v17  }
0x180: {  	v35 =	vadd.f32 v35, v41;
	v41 =	vld.idx.msk [tilespmem:v49+s23+$0x4B0 ss:$0x1], $0xffff;
	v39 =	vadd.f32 v39, v48;
	v48 =	vmul.f32 v31, v9  }
0x181: {  	v37 =	vadd.f32 v38, v37;
	v47 =	vmul.f32 v61, v2;
	v38 =	vld.idx.msk [tilespmem:v49+s23+$0x40B0 ss:$0x1], $0xffff;
	v42 =	vadd.f32 v42, v43  }
0x182: {  	v40 =	vmax.f32 v40, $0.0e+00;
	v39 =	vadd.f32 v39, v48;
	v48 =	vmul.f32 v32, v17  }
0x183: {  	[tilespmem:v49+s12+$0x4F0 ss:$0x1] =	vst.idx.msk $0xffff, v40;
	v43 =	vmul.f32 v57, v4;
	v36 =	vadd.f32 v36, v44;
	v42 =	vmax.f32 v42, $0.0e+00  }
0x184: {  	v45 =	vmul.f32 v59, v18;
	[tilespmem:v49+s24+$0x4A0 ss:$0x1] =	vst.idx.msk $0xffff, v42;
	v39 =	vadd.f32 v39, v48  }
0x185: {  	v40 =	vmul.f32 v60, v10;
	v37 =	vadd.f32 v37, v43;
	v36 =	vadd.f32 v36, v47;
	v43 =	vld.idx.msk [tilespmem:v49+s24+$0x4B0 ss:$0x1], $0xffff  }
0x186: {  	v38 =	vadd.f32 v38, v41;
	v41 =	vmul.f32 v62, v2;
	v48 =	vld.idx.msk [tilespmem:v49+s24+$0x40B0 ss:$0x1], $0xffff;
	v39 =	vmax.f32 v39, $0.0e+00  }
0x187: {  	v42 =	vmul.f32 v58, v12;
	v36 =	vadd.f32 v36, v40;
	[tilespmem:v49+s25+$0x4A0 ss:$0x1] =	vst.idx.msk $0xffff, v39  }
0x188: {  	v35 =	vmax.f32 v35, $0.0e+00;
	v47 =	vmul.f32 v28, v10;
	v38 =	vadd.f32 v38, v41;
	v41 =	vld.idx.msk [tilespmem:v49+s25+$0x4B0 ss:$0x1], $0xffff  }
0x189: {  	[tilespmem:v49+s13+$0x4E0 ss:$0x1] =	vst.idx.msk $0xffff, v35;
	v35 =	vadd.f32 v37, v42;
	v36 =	vadd.f32 v36, v45;
	v37 =	vld.idx.msk [tilespmem:v49+s25+$0x40B0 ss:$0x1], $0xffff  }
0x18a: {  	v42 =	vmul.f32 v56, v20;
	v39 =	vmul.f32 v26, v18;
	v38 =	vadd.f32 v38, v47  }
0x18b: {  	v40 =	vld.idx.msk [tilespmem:v49+s12+$0x500 ss:$0x1], $0xffff;
	v43 =	vadd.f32 v48, v43;
	v48 =	vmul.f32 v27, v2;
	v36 =	vmax.f32 v36, $0.0e+00  }
0x18c: {  	v34 =	vadd.f32 v46, v34;
	v45 =	vld.idx.msk [tilespmem:v49+s12+$0x4100 ss:$0x1], $0xffff;
	v47 =	vadd.f32 v38, v39;
	[tilespmem:v49+s16+$0x4B0 ss:$0x1] =	vst.idx.msk $0xffff, v36  }
0x18d: {  	v35 =	vadd.f32 v35, v42;
	v42 =	vmul.f32 v63, v10;
	v39 =	vadd.f32 v43, v48;
	v38 =	vld.idx.msk [tilespmem:v49+s16+$0x4C0 ss:$0x1], $0xffff  }
0x18e: {  	v48 =	vmul.f32 v29, v2;
	v43 =	vld.idx.msk [tilespmem:v49+s16+$0x40C0 ss:$0x1], $0xffff;
	v36 =	vmax.f32 v47, $0.0e+00;
	v37 =	vadd.f32 v37, v41  }
0x18f: {  	v44 =	vld.idx.msk [tilespmem:v49+s13+$0x4F0 ss:$0x1], $0xffff;
	[tilespmem:v49+s23+$0x4B0 ss:$0x1] =	vst.idx.msk $0xffff, v36;
	v36 =	vadd.f32 v39, v42;
	v39 =	vmul.f32 v30, v18  }
0x190: {  	v35 =	vmax.f32 v35, $0.0e+00;
	v42 =	vld.idx.msk [tilespmem:v49+s23+$0x4C0 ss:$0x1], $0xffff;
	v37 =	vadd.f32 v37, v48;
	v48 =	vmul.f32 v31, v10  }
0x191: {  	[tilespmem:v49+s15+$0x4D0 ss:$0x1] =	vst.idx.msk $0xffff, v35;
	v47 =	vmul.f32 v61, v3;
	v46 =	vld.idx.msk [tilespmem:v49+s23+$0x40C0 ss:$0x1], $0xffff;
	v36 =	vadd.f32 v36, v39  }
0x192: {  	v40 =	vadd.f32 v45, v40;
	v41 =	vld.idx.msk [tilespmem:v49+s15+$0x4E0 ss:$0x1], $0xffff;
	v35 =	vadd.f32 v37, v48;
	v48 =	vmul.f32 v32, v18  }
0x193: {  	v45 =	vmul.f32 v53, v7;
	v39 =	vld.idx.msk [tilespmem:v49+s13+$0x40F0 ss:$0x1], $0xffff;
	v38 =	vadd.f32 v43, v38;
	v36 =	vmax.f32 v36, $0.0e+00  }
0x194: {  	v33 =	vmul.f32 v33, v24;
	[tilespmem:v49+s24+$0x4B0 ss:$0x1] =	vst.idx.msk $0xffff, v36;
	v36 =	vld.idx.msk [tilespmem:v49+s15+$0x40E0 ss:$0x1], $0xffff;
	v35 =	vadd.f32 v35, v48  }
0x195: {  	v37 =	vadd.f32 v40, v45;
	v40 =	vmul.f32 v60, v11;
	v38 =	vadd.f32 v38, v47;
	v43 =	vld.idx.msk [tilespmem:v49+s24+$0x4C0 ss:$0x1], $0xffff  }
0x196: {  	v42 =	vadd.f32 v46, v42;
	v48 =	vmul.f32 v62, v3;
	v46 =	vld.idx.msk [tilespmem:v49+s24+$0x40C0 ss:$0x1], $0xffff;
	v35 =	vmax.f32 v35, $0.0e+00  }
0x197: {  	v38 =	vadd.f32 v38, v40;
	v40 =	vmul.f32 v59, v19;
	[tilespmem:v49+s25+$0x4B0 ss:$0x1] =	vst.idx.msk $0xffff, v35  }
0x198: {  	v35 =	vadd.f32 v39, v44;
	v39 =	vadd.f32 v42, v48;
	v48 =	vmul.f32 v28, v11;
	v44 =	vld.idx.msk [tilespmem:v49+s25+$0x4C0 ss:$0x1], $0xffff  }
0x199: {  	v45 =	vmul.f32 v55, v6;
	v36 =	vadd.f32 v36, v41;
	v38 =	vadd.f32 v38, v40;
	v40 =	vld.idx.msk [tilespmem:v49+s25+$0x40C0 ss:$0x1], $0xffff  }
0x19a: {  	v41 =	vmul.f32 v57, v5;
	v39 =	vadd.f32 v39, v48;
	v48 =	vmul.f32 v26, v19  }
0x19b: {  	v43 =	vadd.f32 v46, v43;
	v46 =	vmul.f32 v27, v3;
	v38 =	vmax.f32 v38, $0.0e+00  }
0x19c: {  	v36 =	vadd.f32 v36, v41;
	[tilespmem:v49+s16+$0x4C0 ss:$0x1] =	vst.idx.msk $0xffff, v38;
	v48 =	vadd.f32 v39, v48  }
0x19d: {  	v39 =	vmul.f32 v58, v13;
	v42 =	vadd.f32 v43, v46;
	v43 =	vmul.f32 v63, v11;
	v41 =	vld.idx.msk [tilespmem:v49+s16+$0x4D0 ss:$0x1], $0xffff  }
0x19e: {  	v46 =	vld.idx.msk [tilespmem:v49+s16+$0x40D0 ss:$0x1], $0xffff;
	v38 =	vmax.f32 v48, $0.0e+00;
	v40 =	vadd.f32 v40, v44;
	v48 =	vmul.f32 v29, v3  }
0x19f: {  	[tilespmem:v49+s23+$0x4C0 ss:$0x1] =	vst.idx.msk $0xffff, v38;
	v38 =	vadd.f32 v42, v43;
	v42 =	vmul.f32 v30, v19  }
0x1a0: {  	v35 =	vadd.f32 v35, v45;
	v43 =	vld.idx.msk [tilespmem:v49+s23+$0x4D0 ss:$0x1], $0xffff;
	v40 =	vadd.f32 v40, v48;
	v48 =	vmul.f32 v31, v11  }
0x1a1: {  	v47 =	vmul.f32 v28, v12;
	v36 =	vadd.f32 v36, v39;
	v39 =	vld.idx.msk [tilespmem:v49+s23+$0x40D0 ss:$0x1], $0xffff;
	v38 =	vadd.f32 v38, v42  }
0x1a2: {  	v44 =	vmul.f32 v32, v19;
	v42 =	vmul.f32 v56, v21;
	v40 =	vadd.f32 v40, v48  }
0x1a3: {  	v41 =	vadd.f32 v46, v41;
	v48 =	vmul.f32 v61, v4;
	v38 =	vmax.f32 v38, $0.0e+00  }
0x1a4: {  	v36 =	vadd.f32 v36, v42;
	[tilespmem:v49+s24+$0x4C0 ss:$0x1] =	vst.idx.msk $0xffff, v38;
	v40 =	vadd.f32 v40, v44  }
0x1a5: {  	v42 =	vmul.f32 v60, v12;
	v38 =	vmul.f32 v54, v14;
	v41 =	vadd.f32 v41, v48;
	v44 =	vld.idx.msk [tilespmem:v49+s24+$0x4D0 ss:$0x1], $0xffff  }
0x1a6: {  	v48 =	vmul.f32 v62, v4;
	v39 =	vadd.f32 v39, v43;
	v46 =	vld.idx.msk [tilespmem:v49+s24+$0x40D0 ss:$0x1], $0xffff;
	v40 =	vmax.f32 v40, $0.0e+00  }
0x1a7: {  	v41 =	vadd.f32 v41, v42;
	v42 =	vmul.f32 v59, v20;
	[tilespmem:v49+s25+$0x4C0 ss:$0x1] =	vst.idx.msk $0xffff, v40  }
0x1a8: {  	v45 =	vmul.f32 v52, v15;
	v43 =	vmul.f32 v51, v22;
	v48 =	vadd.f32 v39, v48;
	v40 =	vld.idx.msk [tilespmem:v49+s25+$0x4D0 ss:$0x1], $0xffff  }
0x1a9: {  	v36 =	vmax.f32 v36, $0.0e+00;
	v35 =	vadd.f32 v35, v38;
	v41 =	vadd.f32 v41, v42;
	v42 =	vld.idx.msk [tilespmem:v49+s25+$0x40D0 ss:$0x1], $0xffff  }
0x1aa: {  	[tilespmem:v49+s15+$0x4E0 ss:$0x1] =	vst.idx.msk $0xffff, v36;
	v38 =	vmul.f32 v26, v20;
	v36 =	vadd.f32 v48, v47  }
0x1ab: {  	v39 =	vld.idx.msk [tilespmem:v49+s15+$0x4F0 ss:$0x1], $0xffff;
	v48 =	vmul.f32 v27, v4;
	v41 =	vmax.f32 v41, $0.0e+00;
	v44 =	vadd.f32 v46, v44  }
0x1ac: {  	v37 =	vadd.f32 v37, v45;
	v45 =	vld.idx.msk [tilespmem:v49+s15+$0x40F0 ss:$0x1], $0xffff;
	[tilespmem:v49+s16+$0x4D0 ss:$0x1] =	vst.idx.msk $0xffff, v41;
	v36 =	vadd.f32 v36, v38  }
0x1ad: {  	v35 =	vadd.f32 v35, v43;
	v43 =	vmul.f32 v63, v12;
	v38 =	vld.idx.msk [tilespmem:v49+s16+$0x4E0 ss:$0x1], $0xffff;
	v41 =	vadd.f32 v44, v48  }
0x1ae: {  	v44 =	vld.idx.msk [tilespmem:v49+s16+$0x40E0 ss:$0x1], $0xffff;
	v48 =	vmul.f32 v29, v4;
	v36 =	vmax.f32 v36, $0.0e+00;
	v40 =	vadd.f32 v42, v40  }
0x1af: {  	v47 =	vmul.f32 v30, v20;
	[tilespmem:v49+s23+$0x4D0 ss:$0x1] =	vst.idx.msk $0xffff, v36;
	v46 =	vadd.f32 v41, v43  }
0x1b0: {  	v35 =	vmax.f32 v35, $0.0e+00;
	v43 =	vld.idx.msk [tilespmem:v49+s23+$0x4E0 ss:$0x1], $0xffff;
	v40 =	vadd.f32 v40, v48;
	v48 =	vmul.f32 v31, v12  }
0x1b1: {  	[tilespmem:v49+s13+$0x4F0 ss:$0x1] =	vst.idx.msk $0xffff, v35;
	v35 =	vadd.f32 v45, v39;
	v39 =	vld.idx.msk [tilespmem:v49+s23+$0x40E0 ss:$0x1], $0xffff;
	v36 =	vadd.f32 v46, v47  }
0x1b2: {  	v45 =	vmul.f32 v57, v6;
	v42 =	vmul.f32 v32, v20;
	v40 =	vadd.f32 v40, v48  }
0x1b3: {  	v41 =	vld.idx.msk [tilespmem:v49+s13+$0x500 ss:$0x1], $0xffff;
	v38 =	vadd.f32 v44, v38;
	v48 =	vmul.f32 v61, v5;
	v36 =	vmax.f32 v36, $0.0e+00  }
0x1b4: {  	v35 =	vadd.f32 v35, v45;
	v46 =	vld.idx.msk [tilespmem:v49+s13+$0x4100 ss:$0x1], $0xffff;
	[tilespmem:v49+s24+$0x4D0 ss:$0x1] =	vst.idx.msk $0xffff, v36;
	v36 =	vadd.f32 v40, v42  }
0x1b5: {  	v40 =	vmul.f32 v58, v14;
	v38 =	vadd.f32 v38, v48;
	v42 =	vmul.f32 v60, v13;
	v44 =	vld.idx.msk [tilespmem:v49+s24+$0x4E0 ss:$0x1], $0xffff  }
0x1b6: {  	v48 =	vmul.f32 v62, v5;
	v39 =	vadd.f32 v39, v43;
	v45 =	vld.idx.msk [tilespmem:v49+s24+$0x40E0 ss:$0x1], $0xffff;
	v36 =	vmax.f32 v36, $0.0e+00  }
0x1b7: {  	v38 =	vadd.f32 v38, v42;
	v42 =	vmul.f32 v59, v21;
	[tilespmem:v49+s25+$0x4D0 ss:$0x1] =	vst.idx.msk $0xffff, v36  }
0x1b8: {  	v35 =	vadd.f32 v35, v40;
	v39 =	vadd.f32 v39, v48;
	v48 =	vmul.f32 v28, v13;
	v43 =	vld.idx.msk [tilespmem:v49+s25+$0x4E0 ss:$0x1], $0xffff  }
0x1b9: {  	v47 =	vmul.f32 v29, v5;
	v36 =	vadd.f32 v46, v41;
	v38 =	vadd.f32 v38, v42;
	v40 =	vld.idx.msk [tilespmem:v49+s25+$0x40E0 ss:$0x1], $0xffff  }
0x1ba: {  	v41 =	vmul.f32 v26, v21;
	v42 =	vmul.f32 v56, v22;
	v39 =	vadd.f32 v39, v48  }
0x1bb: {  	v48 =	vmul.f32 v27, v5;
	v38 =	vmax.f32 v38, $0.0e+00;
	v44 =	vadd.f32 v45, v44  }
0x1bc: {  	v46 =	vmul.f32 v50, v23;
	[tilespmem:v49+s16+$0x4E0 ss:$0x1] =	vst.idx.msk $0xffff, v38;
	v39 =	vadd.f32 v39, v41  }
0x1bd: {  	v35 =	vadd.f32 v35, v42;
	v41 =	vld.idx.msk [tilespmem:v49+s16+$0x4F0 ss:$0x1], $0xffff;
	v42 =	vadd.f32 v44, v48;
	v48 =	vmul.f32 v63, v13  }
0x1be: {  	v38 =	vmul.f32 v55, v7;
	v45 =	vld.idx.msk [tilespmem:v49+s16+$0x40F0 ss:$0x1], $0xffff;
	v39 =	vmax.f32 v39, $0.0e+00;
	v40 =	vadd.f32 v40, v43  }
0x1bf: {  	[tilespmem:v49+s23+$0x4E0 ss:$0x1] =	vst.idx.msk $0xffff, v39;
	v39 =	vadd.f32 v42, v48;
	v42 =	vmul.f32 v30, v21  }
0x1c0: {  	v36 =	vadd.f32 v36, v38;
	v48 =	vmul.f32 v31, v13;
	v38 =	vld.idx.msk [tilespmem:v49+s23+$0x4F0 ss:$0x1], $0xffff;
	v40 =	vadd.f32 v40, v47  }
0x1c1: {  	v44 =	vmul.f32 v54, v15;
	v35 =	vmax.f32 v35, $0.0e+00;
	v39 =	vadd.f32 v39, v42;
	v42 =	vld.idx.msk [tilespmem:v49+s23+$0x40F0 ss:$0x1], $0xffff  }
0x1c2: {  	[tilespmem:v49+s15+$0x4F0 ss:$0x1] =	vst.idx.msk $0xffff, v35;
	v35 =	vadd.f32 v40, v48;
	v40 =	vmul.f32 v32, v21  }
0x1c3: {  	v43 =	vld.idx.msk [tilespmem:v49+s15+$0x500 ss:$0x1], $0xffff;
	v41 =	vadd.f32 v45, v41;
	v48 =	vmul.f32 v61, v6;
	v39 =	vmax.f32 v39, $0.0e+00  }
0x1c4: {  	v37 =	vadd.f32 v37, v46;
	v46 =	vld.idx.msk [tilespmem:v49+s15+$0x4100 ss:$0x1], $0xffff;
	[tilespmem:v49+s24+$0x4E0 ss:$0x1] =	vst.idx.msk $0xffff, v39;
	v35 =	vadd.f32 v35, v40  }
0x1c5: {  	v36 =	vadd.f32 v36, v44;
	v39 =	vadd.f32 v41, v48;
	v48 =	vmul.f32 v60, v14;
	v41 =	vld.idx.msk [tilespmem:v49+s24+$0x4F0 ss:$0x1], $0xffff  }
0x1c6: {  	v44 =	vld.idx.msk [tilespmem:v49+s24+$0x40F0 ss:$0x1], $0xffff;
	v38 =	vadd.f32 v42, v38;
	v42 =	vmul.f32 v62, v6;
	v35 =	vmax.f32 v35, $0.0e+00  }
0x1c7: {  	v37 =	vmax.f32 v37, $0.0e+00;
	v47 =	vmul.f32 v28, v14;
	v45 =	vmul.f32 v51, v23;
	[tilespmem:v49+s25+$0x4E0 ss:$0x1] =	vst.idx.msk $0xffff, v35  }
0x1c8: {  	v39 =	vadd.f32 v39, v48;
	v48 =	vmul.f32 v59, v22;
	v38 =	vadd.f32 v38, v42;
	v42 =	vld.idx.msk [tilespmem:v49+s25+$0x4F0 ss:$0x1], $0xffff  }
0x1c9: {  	v33 =	vadd.f32 v34, v33;
	[tilespmem:v49+s12+$0x500 ss:$0x1] =	vst.idx.msk $0xffff, v37;
	v34 =	vadd.f32 v36, v45;
	v36 =	vld.idx.msk [tilespmem:v49+s25+$0x40F0 ss:$0x1], $0xffff  }
0x1ca: {  	v35 =	vadd.f32 v39, v48;
	v37 =	vadd.f32 v38, v47;
	v38 =	vmul.f32 v26, v22  }
0x1cb: {  	v39 =	vadd.f32 v46, v43;
	v48 =	vmul.f32 v27, v6;
	v40 =	vadd.f32 v44, v41  }
0x1cc: {  	v44 =	vmul.f32 v57, v7;
	v35 =	vmax.f32 v35, $0.0e+00;
	v37 =	vadd.f32 v37, v38  }
0x1cd: {  	v43 =	vld.idx.msk [tilespmem:v49+s12+$0x510 ss:$0x1], $0xffff;
	[tilespmem:v49+s16+$0x4F0 ss:$0x1] =	vst.idx.msk $0xffff, v35;
	v35 =	vadd.f32 v40, v48;
	v40 =	vmul.f32 v63, v14  }
0x1ce: {  	v38 =	vld.idx.msk [tilespmem:v49+s12+$0x4110 ss:$0x1], $0xffff;
	v48 =	vmul.f32 v29, v6;
	v36 =	vadd.f32 v36, v42;
	v37 =	vmax.f32 v37, $0.0e+00  }
0x1cf: {  	v41 =	vld.idx.msk [tilespmem:v49+s16+$0x500 ss:$0x1], $0xffff;
	v35 =	vadd.f32 v35, v40;
	[tilespmem:v49+s23+$0x4F0 ss:$0x1] =	vst.idx.msk $0xffff, v37;
	v37 =	vmul.f32 v30, v22  }
0x1d0: {  	v34 =	vmax.f32 v34, $0.0e+00;
	v45 =	vld.idx.msk [tilespmem:v49+s16+$0x4100 ss:$0x1], $0xffff;
	v42 =	vmul.f32 v31, v14;
	v36 =	vadd.f32 v36, v48  }
0x1d1: {  	v39 =	vadd.f32 v39, v44;
	v48 =	vmul.f32 v58, v15;
	v40 =	vld.idx.msk [tilespmem:v49+s23+$0x500 ss:$0x1], $0xffff;
	v35 =	vadd.f32 v35, v37  }
0x1d2: {  	[tilespmem:v49+s13+$0x500 ss:$0x1] =	vst.idx.msk $0xffff, v34;
	v37 =	vld.idx.msk [tilespmem:v49+s23+$0x4100 ss:$0x1], $0xffff;
	v34 =	vadd.f32 v36, v42;
	v36 =	vmul.f32 v32, v22  }
0x1d3: {  	v42 =	vld.idx.msk [tilespmem:v49+s13+$0x510 ss:$0x1], $0xffff;
	v39 =	vadd.f32 v39, v48;
	v48 =	vmul.f32 v56, v23;
	v35 =	vmax.f32 v35, $0.0e+00  }
0x1d4: {  	v53 =	vmul.f32 v53, v8;
	v34 =	vadd.f32 v34, v36;
	[tilespmem:v49+s24+$0x4F0 ss:$0x1] =	vst.idx.msk $0xffff, v35;
	v35 =	vld.idx.msk [tilespmem:v49+s13+$0x4110 ss:$0x1], $0xffff  }
0x1d5: {  	v46 =	vmul.f32 v60, v15;
	v38 =	vadd.f32 v38, v43;
	v36 =	vadd.f32 v39, v48;
	v43 =	vld.idx.msk [tilespmem:v49+s24+$0x500 ss:$0x1], $0xffff  }
0x1d6: {  	v39 =	vadd.f32 v45, v41;
	v41 =	vmul.f32 v61, v7;
	v44 =	vld.idx.msk [tilespmem:v49+s24+$0x4100 ss:$0x1], $0xffff;
	v34 =	vmax.f32 v34, $0.0e+00  }
0x1d7: {  	v48 =	vmul.f32 v62, v7;
	v37 =	vadd.f32 v37, v40;
	[tilespmem:v49+s25+$0x4F0 ss:$0x1] =	vst.idx.msk $0xffff, v34  }
0x1d8: {  	v47 =	vmul.f32 v28, v15;
	v38 =	vadd.f32 v38, v53;
	v39 =	vadd.f32 v39, v41;
	v41 =	vld.idx.msk [tilespmem:v49+s25+$0x500 ss:$0x1], $0xffff  }
0x1d9: {  	v53 =	vmul.f32 v27, v7;
	v37 =	vadd.f32 v37, v48;
	v35 =	vadd.f32 v35, v42;
	v42 =	vld.idx.msk [tilespmem:v49+s25+$0x4100 ss:$0x1], $0xffff  }
0x1da: {  	v36 =	vmax.f32 v36, $0.0e+00;
	v34 =	vadd.f32 v39, v46;
	v39 =	vmul.f32 v59, v23  }
0x1db: {  	v48 =	vmul.f32 v26, v23;
	v37 =	vadd.f32 v37, v47;
	v43 =	vadd.f32 v44, v43  }
0x1dc: {  	[tilespmem:v49+s15+$0x500 ss:$0x1] =	vst.idx.msk $0xffff, v36;
	v36 =	vmul.f32 v52, v16;
	v34 =	vadd.f32 v34, v39  }
0x1dd: {  	v52 =	vmul.f32 v63, v15;
	v37 =	vadd.f32 v37, v48;
	v48 =	vadd.f32 v43, v53  }
0x1de: {  	v55 =	vmul.f32 v55, v8;
	v53 =	vmul.f32 v29, v7;
	v41 =	vadd.f32 v42, v41  }
0x1df: {  	v51 =	vmul.f32 v51, v24;
	v39 =	vld.idx.msk [tilespmem:v49+s15+$0x510 ss:$0x1], $0xffff;
	v34 =	vmax.f32 v34, $0.0e+00;
	v48 =	vadd.f32 v48, v52  }
0x1e0: {  	v44 =	vld.idx.msk [tilespmem:v49+s15+$0x4110 ss:$0x1], $0xffff;
	v52 =	vmul.f32 v30, v23;
	v41 =	vadd.f32 v41, v53;
	v53 =	vmul.f32 v31, v15  }
0x1e1: {  	v33 =	vmax.f32 v33, $0.0e+00;
	v35 =	vadd.f32 v35, v55;
	v55 =	vmul.f32 v32, v23;
	[tilespmem:v49+s16+$0x500 ss:$0x1] =	vst.idx.msk $0xffff, v34  }
0x1e2: {  	v40 =	vld.idx.msk [tilespmem:v49+s16+$0x510 ss:$0x1], $0xffff;
	v47 =	vmax.f32 v37, $0.0e+00;
	v37 =	vadd.f32 v48, v52;
	v41 =	vadd.f32 v41, v53  }
0x1e3: {  	v28 =	vmul.f32 v28, v16;
	v27 =	vmul.f32 v27, v8;
	v34 =	vld.idx.msk [tilespmem:v49+s16+$0x4110 ss:$0x1], $0xffff;
	[tilespmem:v49+s23+$0x500 ss:$0x1] =	vst.idx.msk $0xffff, v47  }
0x1e4: {  	v36 =	vadd.f32 v38, v36;
	v38 =	vld.idx.msk [tilespmem:v49+s23+$0x510 ss:$0x1], $0xffff;
	v37 =	vmax.f32 v37, $0.0e+00;
	v41 =	vadd.f32 v41, v55  }
0x1e5: {  	v39 =	vadd.f32 v44, v39;
	v48 =	vmul.f32 v50, v24;
	v52 =	vld.idx.msk [tilespmem:v49+s23+$0x4110 ss:$0x1], $0xffff;
	[tilespmem:v49+s24+$0x500 ss:$0x1] =	vst.idx.msk $0xffff, v37  }
0x1e6: {  	v50 =	vmul.f32 v54, v16;
	v53 =	vmul.f32 v57, v8;
	v57 =	vld.idx.msk [tilespmem:v49+s24+$0x510 ss:$0x1], $0xffff;
	v41 =	vmax.f32 v41, $0.0e+00  }
0x1e7: {  	v55 =	vmul.f32 v58, v16;
	v58 =	vmul.f32 v61, v8;
	v61 =	vld.idx.msk [tilespmem:v49+s24+$0x4110 ss:$0x1], $0xffff;
	[tilespmem:v49+s25+$0x500 ss:$0x1] =	vst.idx.msk $0xffff, v41  }
0x1e8: {  	v26 =	vmul.f32 v26, v24;
	v29 =	vmul.f32 v29, v8;
	v35 =	vadd.f32 v35, v50;
	v50 =	vld.idx.msk [tilespmem:v49+s25+$0x510 ss:$0x1], $0xffff  }
0x1e9: {  	v30 =	vmul.f32 v30, v24;
	v34 =	vadd.f32 v34, v40;
	v54 =	vadd.f32 v39, v53;
	v53 =	vld.idx.msk [tilespmem:v49+s25+$0x4110 ss:$0x1], $0xffff  }
0x1ea: {  	v36 =	vadd.f32 v36, v48;
	v48 =	vmul.f32 v62, v8;
	v38 =	vadd.f32 v52, v38  }
0x1eb: {  	v35 =	vadd.f32 v35, v51;
	v52 =	vmul.f32 v60, v16;
	v34 =	vadd.f32 v34, v58  }
0x1ec: {  	v31 =	vmul.f32 v31, v16;
	v37 =	vadd.f32 v54, v55;
	v38 =	vadd.f32 v38, v48  }
0x1ed: {  	v54 =	vmul.f32 v56, v24;
	v34 =	vadd.f32 v34, v52;
	v56 =	vadd.f32 v61, v57  }
0x1ee: {  	v55 =	vmul.f32 v59, v24;
	v28 =	vadd.f32 v38, v28;
	v57 =	vadd.f32 v53, v50  }
0x1ef: {  	v58 =	vmul.f32 v63, v16;
	v37 =	vadd.f32 v37, v54;
	v27 =	vadd.f32 v56, v27  }
0x1f0: {  	[tilespmem:v49+s10+$0x510 ss:$0x1] =	vst.idx.msk $0xffff, v33;
	v59 =	vmax.f32 v36, $0.0e+00;
	v26 =	vadd.f32 v28, v26;
	v28 =	vadd.f32 v57, v29  }
0x1f1: {  	v60 =	vmax.f32 v35, $0.0e+00;
	[tilespmem:v49+s12+$0x510 ss:$0x1] =	vst.idx.msk $0xffff, v59;
	v34 =	vadd.f32 v34, v55;
	v27 =	vadd.f32 v27, v58  }
0x1f2: {  	p0 =	slt.u32 s2, $0x20;
	v62 =	vmul.f32 v32, v24;
	[tilespmem:v49+s13+$0x510 ss:$0x1] =	vst.idx.msk $0xffff, v60;
	v61 =	vmax.f32 v37, $0.0e+00;
	v28 =	vadd.f32 v28, v31  }
.Ltmp3:
0x1f3: {  	[tilespmem:v49+s15+$0x510 ss:$0x1] =	vst.idx.msk $0xffff, v61;
	v63 =	vmax.f32 v34, $0.0e+00;
	v27 =	vadd.f32 v27, v30;
	(pc) =	sbr.rel @p0 .LBB2_7-.Ltmp3, $4  }
0x1f4: {  	[tilespmem:v49+s16+$0x510 ss:$0x1] =	vst.idx.msk $0xffff, v63;
	v26 =	vmax.f32 v26, $0.0e+00;
	v28 =	vadd.f32 v28, v62  }
0x1f5: {  	[tilespmem:v49+s23+$0x510 ss:$0x1] =	vst.idx.msk $0xffff, v26;
	v26 =	vmax.f32 v27, $0.0e+00  }
0x1f6: {  	[tilespmem:v49+s24+$0x510 ss:$0x1] =	vst.idx.msk $0xffff, v26;
	v26 =	vmax.f32 v28, $0.0e+00  }
0x1f7: {  	s2 =	sadd.s32 $0x8, s2;
	[tilespmem:v49+s25+$0x510 ss:$0x1] =	vst.idx.msk $0xffff, v26  }
0x1f8: {  	s2 =	smul.u32 $0x5000, s0  }
0x1f9: {  	s5 =	smul.u32 $0x140, s31  }
0x1fa: {  	p0 =	slt.u32 s30, $0xFA  }
.Ltmp4:
0x1fb: {  	s2 =	sshrl.u32 s2, $0x2;
	s5 =	sshrl.u32 s5, $0x2;
	(pc) =	sbr.rel @p0 .LBB2_2-.Ltmp4, $4  }
0x1fc: {  	s31 =	sadd.s32 $0x8, s0;
	s2 =	sadd.s32 $0x4A0, s2;
	s5 =	sadd.s32 $0x28, s5  }
0x1fd: {  	[spmem:s3] =	stream.indirect.scatter.add.f32 [tilespmem:s2], [sflag:s31], $0x80, s5, s20, $0xb8;
	[tilespmem:$0x1DEB0] =	vst v63  }
0x1fe: {  	s0 =	smov.u32 s30  }
0x1ff: {  	[spmem:s4] =	stream.indirect.scatter.add.f32 [tilespmem:s19], [sflag:s31], $0x10, s5, s20, $0xb8;
	[tilespmem:$0x1DEB0] =	vst v63  }
0x200: {  	s0 =	simm.s32 $0xA  }
0x201: {  	_ =	swait.ge [sflag:s0], $0x1400  }
0x202: {  	[sflag:s0] =	ssyncset.done $0x0  }
0x203: {  	[sflag:s0] =	ssyncadd.s32 $0xFFFFEC00  }
0x204: {  	_ =	swait.ge [sflag:s0], $0x280  }
0x205: {  	[sflag:s0] =	ssyncset.done $0x0  }
0x206: {  	s24 =	simm.s32 $0x8;
	[sflag:s0] =	ssyncadd.s32 $0xFFFFFD80  }
0x207: {  	_ =	swait.ge [sflag:s24], $0x1400  }
0x208: {  	[sflag:s24] =	ssyncset.done $0x0  }
0x209: {  	[sflag:s24] =	ssyncadd.s32 $0xFFFFEC00  }
0x20a: {  	_ =	swait.ge [sflag:s24], $0x280  }
0x20b: {  	[sflag:s24] =	ssyncset.done $0x0  }
0x20c: {  	[sflag:s24] =	ssyncadd.s32 $0xFFFFFD80  }
0x20d: {  	[bflag:$0x0] =	sbarrier.arrive $0xFFFF  }
0x20e: {  	s25 =	rddreg [dreg:$0xd]  }
0x20f: {  	[hbm:s25], [sflag:s14] =	dma.local [spmem:s28], $0x2710  }
0x210: {  	_ =	swait.ge [sflag:s17], $0x2710  }
0x211: {  	[sflag:s17] =	ssyncset.done $0x0  }
0x212: {  	s30 =	rddreg [dreg:$0xe];
	[sflag:s17] =	ssyncadd.s32 $0xFFFFD8F0  }
0x213: {  	[hbm:s30], [sflag:s14] =	dma.local [spmem:s29], $0x4E2  }
0x214: {  	_ =	swait.ge [sflag:s17], $0x4E2  }
0x215: {  	s26 =	sadd.s32 $0x1, s26;
	s31 =	rddreg [dreg:$0xf]  }
0x216: {  	p0 =	sne.s32 s26, s31  }
.Ltmp5:
0x217: {  	_ = 	snop;
	(pc) =	sbr.rel @p0 .LBB2_1-.Ltmp5, $3  }
0x218: {  	_ =	sdelay $0x1  }
0x219: {  	[sflag:s17] =	ssyncset.done $0x0  }
0x21a: {  	[sflag:s17] =	ssyncadd.s32 $0xFFFFFB1E  }
0x21b: {  	_ =	sfence.sel $0x180000  }
0x21c: {  	[bflag:$0x0] =	sbarrier.arrive $0xFFFF  }
0x21d: {  	_ =	strace $0x90000047  }
0x21e: {  	s0 =	stileid.u32;
	[bflag:$0x2] =	sbarrier.arrive $0xFFFF  }
0x21f: {  	p0 =	sne.s32 s0, $0x0;
	s0 =	rddreg [dreg:$0x4]  }
0x220: {  	s0 =	sadd.s32 @!p0 $0x100000, s0  }
0x221: {  	[sflag:s0] =	ssyncadd.tile.s32 @!p0 $0x1;
	_ =	shalt  }
.Lfunc_end2:
_tile_overlayer_lowered:
.L_overlay_start_2:
0x222: {  	(tag) =	ssettag $0x2  }
0x223: {  	s0 =	rddreg [dreg:$0x0];
	s2 =	stileid.u32  }
0x224: {  	s1 =	rddreg [dreg:$0x1];
	p0 =	sne.s32 s2, $0x0  }
0x225: {  	s3 =	rddreg [dreg:$0x2];
	[bflag:$0x3] =	sbarrier.arrive $0xFFFF;
	s2 =	simm.s32 @!p0 $0x1C0B  }
0x226: {  	[timem:s3], [sflag:s2] =	dma.local @!p0 [hbm:s0], s1  }
0x227: {  	s0 =	simm.s32 @!p0 $0xB  }
0x228: {  	_ =	swait.ge @!p0 [sflag:s0], s1  }
0x229: {  	s1 =	ssub.s32 @!p0 $0x0, s1;
	[sflag:s0] =	ssyncset.done @!p0 $0x0  }
0x22a: {  	[sflag:s0] =	ssyncadd.s32 @!p0 s1  }
0x22b: {  	[bflag:$0x3] =	sbarrier.arrive $0xFFFF  }
0x22c: {  	_ =	shalt  }

</sc_bundles>
